<compile_context>
chip_gen: v7x
topology: tpu7x:2x2x1
jax: 0.10.2.dev20260603
libtpu: 0.0.44.dev20260713+nightly
codegen_flags: <defaults>
</compile_context>

<pallas_src>
import functools

import numpy as np
import jax
import jax.numpy as jnp
from jax import lax
from jax.experimental import pallas as pl
from jax.experimental.pallas import tpu as pltpu
from jax.experimental.pallas import tpu_sc as plsc

_SYNC_COST = 10.0
_EPS = 1e-07
_T_TRIM = 500
_T_FULL = 600
_N_TRIALS = 16
_N_NEURONS = 10000
_N_SAMPLES = 50
_NS_PAD = 64
_N_E = 8000

_KP = 512
_TB = 256
_MP = 4096


def _sampling_plan():
    rng = np.random.default_rng(0)
    trials = rng.integers(0, _N_TRIALS, size=_N_SAMPLES)
    counts = rng.normal(70.0, 30.0, size=_N_SAMPLES).astype(np.int32)
    counts = np.clip(counts, 15, _N_E)
    shuffled = rng.permutation(_N_E)
    prev = 0
    slots, samp = [], []
    for i in range(_N_SAMPLES):
        n = int(counts[i])
        if prev + n > shuffled.shape[0]:
            shuffled = rng.permutation(_N_E)
            prev = 0
        slots.append(shuffled[prev:prev + n].copy())
        samp.append(np.full(n, i, np.int32))
        prev += n
    return trials, np.concatenate(slots).astype(np.int32), np.concatenate(samp)


_TRIALS, _SLOT, _SAMP = _sampling_plan()
_M = _SLOT.shape[0]

_SLOT_PAD = np.zeros(_MP, np.int32)
_SLOT_PAD[:_M] = _SLOT

_ONEHOT = np.zeros((_MP, _NS_PAD), np.float32)
_ONEHOT[np.arange(_M), _SAMP] = 1.0

_USED = np.asarray(sorted(set(_TRIALS.tolist())), np.int32)
_NT_USED = _USED.shape[0]
_GAP_THRESH = [int(m) - i for i, m in
               enumerate(sorted(set(range(_N_TRIALS)) - set(_TRIALS.tolist())))]

_TRIALMASK = np.zeros((_NT_USED, 1, _NS_PAD), np.float32)
for _k, _t in enumerate(_USED.tolist()):
    _TRIALMASK[_k, 0, np.arange(_N_SAMPLES)[_TRIALS == _t]] = 1.0

_MASK50 = np.zeros((1, _NS_PAD), np.float32)
_MASK50[0, :_N_SAMPLES] = 1.0


def _bin_plan():
    bs = np.logspace(-3, 0, 20)
    bs = bs[bs < 0.25]
    plan, roff = [], 0
    for bw in bs:
        b = int(np.round(bw * 1000))
        nb = _T_TRIM // b
        plan.append((b, nb, roff))
        roff += nb
    return plan, roff


_BINS, _NROWS = _bin_plan()

_ZROWS = np.zeros((10240, _NS_PAD), np.float32)

_MS = _MP // 16
_NR_PAD = 10240
_RS = _NR_PAD // 16


def _sc_membership(node_id_e, slot, onehot, zrows):
    mesh = plsc.VectorSubcoreMesh(core_axis_name="c", subcore_axis_name="s")

    @functools.partial(
        pl.kernel,
        mesh=mesh,
        out_type=jax.ShapeDtypeStruct((_NR_PAD, _NS_PAD), jnp.float32),
        scratch_types=[
            pltpu.VMEM((_MS,), jnp.int32),
            pltpu.VMEM((_MS // 128, 128), jnp.int32),
            pltpu.VMEM((_MS, _NS_PAD), jnp.float32),
            pltpu.VMEM_SHARED((_NR_PAD, _NS_PAD), jnp.float32),
            pltpu.SemaphoreType.DMA,
            pltpu.SemaphoreType.DMA,
            pltpu.SemaphoreType.DMA,
        ],
    )
    def body(nid_h, slot_h, oh_h, z_h, out_h, slotv, nidv, ohv, bsh,
             sem, zsem, osem):
        cid = lax.axis_index("c")
        sid = lax.axis_index("s")

        @pl.when(cid == 0)
        def _():
            zcp = pltpu.make_async_copy(z_h.at[pl.ds(sid * _RS, _RS)],
                                        bsh.at[pl.ds(sid * _RS, _RS)], zsem)
            zcp.start()
            ocp = pltpu.make_async_copy(oh_h.at[pl.ds(sid * _MS, _MS)], ohv,
                                        osem)
            ocp.start()
            pltpu.sync_copy(slot_h.at[pl.ds(sid * _MS, _MS)], slotv)
            for j in range(_MS // 128):
                pltpu.make_async_copy(
                    nid_h.at[slotv.at[pl.ds(j * 128, 128)]], nidv.at[j], sem
                ).start()
            for j in range(_MS // 128):
                pltpu.make_async_copy(
                    nid_h.at[slotv.at[pl.ds(j * 128, 128)]], nidv.at[j], sem
                ).wait()
            zcp.wait()
            ocp.wait()
            plsc.subcore_barrier()
            for j in range(_MS // 128):
                pltpu.sync_copy(ohv.at[pl.ds(j * 128, 128)],
                                bsh.at[nidv.at[j]], add=True)
            plsc.subcore_barrier()
            pltpu.sync_copy(bsh.at[pl.ds(sid * _RS, _RS)],
                            out_h.at[pl.ds(sid * _RS, _RS)])

    return body(node_id_e, slot, onehot, zrows)


def _tc_body(spk_ref, b_ref, tm_ref, m_ref, e_ref, o_ref, selv):
    tb = pl.program_id(0)
    tr = pl.program_id(1)
    res = jnp.dot(spk_ref[0], b_ref[0:_N_NEURONS, :],
                  preferred_element_type=jnp.float32)
    res = res * tm_ref[0]

    @pl.when(tr == 0)
    def _():
        selv[pl.ds(tb * _TB, _TB), :] = res

    @pl.when(tr != 0)
    def _():
        selv[pl.ds(tb * _TB, _TB), :] = selv[pl.ds(tb * _TB, _TB), :] + res

    @pl.when((tb == _KP // _TB - 1) & (tr == _NT_USED - 1))
    def _():
        sel = selv[...]
        msk = m_ref[...]
        acc = jnp.float32(0.0)
        for bi, (bs, nb, _roff) in enumerate(_BINS):
            blk = jnp.sum(sel[0:nb * bs, :].reshape(nb, bs, _NS_PAD), axis=1)
            mean = jnp.mean(blk, axis=0, keepdims=True)
            var = jnp.mean((blk - mean) ** 2, axis=0, keepdims=True)
            fano = var / jnp.maximum(mean, _EPS)
            fm = jnp.sum(fano * msk) / jnp.float32(_N_SAMPLES)
            d = e_ref[0, bi] - fm
            acc = acc + d * d
        o_ref[0, 0] = _SYNC_COST * acc / jnp.float32(len(_BINS))


def _used_trial(tr):
    t = tr
    for th in _GAP_THRESH:
        t = t + (tr >= th).astype(jnp.int32)
    return t


def _tc_main(spikes, bmat, trialmask, msk, exp2):
    return pl.pallas_call(
        _tc_body,
        grid=(_KP // _TB, _NT_USED),
        in_specs=[
            pl.BlockSpec((1, _TB, _N_NEURONS),
                         lambda tb, tr: (_used_trial(tr), tb, 0)),
            pl.BlockSpec((_NR_PAD, _NS_PAD), lambda tb, tr: (0, 0)),
            pl.BlockSpec((1, 1, _NS_PAD), lambda tb, tr: (tr, 0, 0)),
            pl.BlockSpec((1, _NS_PAD), lambda tb, tr: (0, 0)),
            pl.BlockSpec(memory_space=pltpu.SMEM),
        ],
        out_specs=pl.BlockSpec(memory_space=pltpu.SMEM),
        out_shape=jax.ShapeDtypeStruct((1, 1), jnp.float32),
        scratch_shapes=[pltpu.VMEM((_KP, _NS_PAD), jnp.float32)],
    )(spikes, bmat, trialmask, msk, exp2)


def kernel(spikes, node_id_e, experimental_fanos_mean):
    spikes = spikes.astype(jnp.float32)
    slot = jnp.asarray(_SLOT_PAD)
    onehot = jnp.asarray(_ONEHOT)
    zrows = jnp.asarray(_ZROWS)
    bmat = _sc_membership(node_id_e.astype(jnp.int32), slot, onehot, zrows)
    exp2 = experimental_fanos_mean.astype(jnp.float32).reshape(1, len(_BINS))
    res = _tc_main(spikes, bmat, jnp.asarray(_TRIALMASK),
                   jnp.asarray(_MASK50), exp2)
    return res[0, 0]

# --- scband reference (transcript-rebuilt; emitter-appended) ---
"""Pipeline reference for scband-synchronization-loss-79431125172891 (READ-ONLY COPY).

The authoritative reference and input builder live on the scoring server;
editing this copy changes nothing except your own understanding.
"""

import jax, jax.numpy as jnp
import numpy as np

SYNC_COST = 10.0
T_START = 0.0
T_END = 0.5
N_SAMPLES = 50
EPS = 1e-07


def _bin_sizes():
    bs = np.logspace(-3, 0, 20)
    return bs[bs < (T_END - T_START) / 2]


def setup_inputs(seed: int = 0) -> dict:
    key = jax.random.key(seed)
    n_trials, T, n_neurons = 16, 600, 10000
    k1, k2, k3 = jax.random.split(key, 3)
    # binary spike trains, ~2% firing probability per ms
    spikes = (jax.random.uniform(k1, (n_trials, T, n_neurons)) < 0.02).astype(jnp.float32)
    # excitatory neuron ids (80% of population), sorted like np.arange masked by ei=='e'
    n_e = 8000
    node_id_e = jnp.sort(jax.random.permutation(k2, n_neurons)[:n_e]).astype(jnp.int32)
    nbins = _bin_sizes().shape[0]
    experimental_fanos_mean = jax.random.uniform(k3, (nbins,), minval=0.5, maxval=3.0).astype(jnp.float32)
    return {"spikes": spikes, "node_id_e": node_id_e, "experimental_fanos_mean": experimental_fanos_mean}


def _sample_indices(n_e, n_trials):
    # deterministic stand-in for tf.random ops in __call__
    rng = np.random.default_rng(0)
    sample_trials = rng.integers(0, n_trials, size=N_SAMPLES)
    sample_counts = rng.normal(70.0, 30.0, size=N_SAMPLES).astype(np.int32)
    sample_counts = np.clip(sample_counts, 15, n_e)
    shuffled = rng.permutation(n_e)
    prev = 0
    all_idx = []
    for i in range(N_SAMPLES):
        n = int(sample_counts[i])
        if prev + n > shuffled.shape[0]:
            shuffled = rng.permutation(n_e)
            prev = 0
        all_idx.append(shuffled[prev:prev + n].copy())
        prev += n
    return sample_trials, all_idx


def _pop_fano(selected, bin_sizes):
    # selected: [N_SAMPLES, T_trim]
    st = selected.T  # [T_trim, N_SAMPLES]
    fanos = []
    for bw in bin_sizes:
        bs = int(np.round(bw * 1000))
        max_index = st.shape[0] // bs * bs
        trimmed = st[:max_index, :].reshape(max_index // bs, bs, -1)
        sp_counts = jnp.sum(trimmed, axis=1)
        mean_count = jnp.maximum(jnp.mean(sp_counts, axis=0), EPS)
        var_count = jnp.var(sp_counts, axis=0)
        fanos.append(var_count / mean_count)
    return jnp.stack(fanos)  # [n_bins, N_SAMPLES]


def reference(spikes, node_id_e, experimental_fanos_mean):
    bin_sizes = _bin_sizes()
    t0 = int(T_START * 1000)
    t1 = int(T_END * 1000)
    spikes = spikes[:, t0:t1, :].astype(jnp.float32)
    n_trials = spikes.shape[0]
    n_e = node_id_e.shape[0]
    sample_trials, all_idx = _sample_indices(n_e, n_trials)
    sel = []
    for i in range(N_SAMPLES):
        tr = int(sample_trials[i])
        ids = jnp.take(node_id_e, jnp.asarray(all_idx[i], dtype=jnp.int32))
        # gather selected excitatory neurons from one trial, sum population -> [T_trim]
        sel.append(jnp.sum(jnp.take(spikes[tr], ids, axis=1), axis=-1))
    selected = jnp.stack(sel)  # [N_SAMPLES, T_trim]
    fanos = _pop_fano(selected, bin_sizes)
    fanos_mean = jnp.mean(fanos, axis=1)
    mse_loss = jnp.mean(jnp.square(experimental_fanos_mean - fanos_mean))
    return SYNC_COST * mse_loss

if __name__ == "__main__":
    import jax
    _d = setup_inputs()
    print(jax.jit(kernel)(*tuple(_d.values())))

</pallas_src>

<mosaic_0001>
#map = affine_map<(d0, d1) -> (0)>
#map1 = affine_map<(d0, d1) -> (0, 0)>
module attributes {stable_mosaic.version = 14 : i64} {
  func.func @body(%arg0: i32, %arg1: i32, %arg2: memref<8000xi32, #tpu.memory_space<hbm>>, %arg3: memref<4096xi32, #tpu.memory_space<hbm>>, %arg4: memref<4096x64xf32, #tpu.memory_space<hbm>>, %arg5: memref<10240x64xf32, #tpu.memory_space<hbm>>, %arg6: memref<10240x64xf32, #tpu.memory_space<hbm>>, %arg7: memref<256xi32, #tpu.memory_space<vmem>>, %arg8: memref<2x128xi32, #tpu.memory_space<vmem>>, %arg9: memref<256x64xf32, #tpu.memory_space<vmem>>, %arg10: memref<10240x64xf32, #tpu.memory_space<vmem_shared>>, %arg11: memref<!tpu.dma_semaphore, #tpu.memory_space<semaphore_mem>>, %arg12: memref<!tpu.dma_semaphore, #tpu.memory_space<semaphore_mem>>, %arg13: memref<!tpu.dma_semaphore, #tpu.memory_space<semaphore_mem>>) attributes {dimension_semantics = [#tpu.dimension_semantics<core_parallel>, #tpu.dimension_semantics<subcore_parallel>], iteration_bounds = array<i64: 2, 16>, scalar_prefetch = 0 : i64, scratch_operands = 7 : i64, tpu.core_type = #tpu.core_type<sc_vector_subcore>, window_params = [{transform_indices = #map}, {transform_indices = #map}, {transform_indices = #map1}, {transform_indices = #map1}, {transform_indices = #map1}]} {
    %eq3A = arith.constant 0 : i32
    %eq3A_0 = arith.cmpi eq, %arg0, %eq3A : i32
    %convert_element_type3A = arith.extui %eq3A_0 : i1 to i32
    %cond3A = arith.constant 0 : i32
    %cond3A_1 = arith.cmpi ne, %convert_element_type3A, %cond3A : i32
    scf.if %cond3A_1 {
      %mul3A = arith.constant 640 : i32
      %mul3A_2 = arith.muli %arg1, %mul3A : i32
      %mul3A_3 = arith.constant 640 : i32
      %mul3A_4 = arith.muli %arg1, %mul3A_3 : i32
      %dma_start3A = arith.constant 0 : i32
      %dma_start3A_5 = tpu.memref_slice %arg10[%mul3A_4, %dma_start3A] : memref<10240x64xf32, #tpu.memory_space<vmem_shared>> -> memref<640x64xf32, #tpu.memory_space<vmem_shared>>
      %dma_start3A_6 = arith.constant 0 : i32
      %dma_start3A_7 = tpu.memref_slice %arg5[%mul3A_2, %dma_start3A_6] : memref<10240x64xf32, #tpu.memory_space<hbm>> -> memref<640x64xf32, #tpu.memory_space<hbm>>
      tpu.enqueue_dma source(%dma_start3A_7 : memref<640x64xf32, #tpu.memory_space<hbm>>) target(%dma_start3A_5 : memref<640x64xf32, #tpu.memory_space<vmem_shared>>) target_semaphore(%arg12 : memref<!tpu.dma_semaphore, #tpu.memory_space<semaphore_mem>>)
      %mul3A_8 = arith.constant 256 : i32
      %mul3A_9 = arith.muli %arg1, %mul3A_8 : i32
      %dma_start3A_10 = arith.constant 0 : i32
      %dma_start3A_11 = tpu.memref_slice %arg4[%mul3A_9, %dma_start3A_10] : memref<4096x64xf32, #tpu.memory_space<hbm>> -> memref<256x64xf32, #tpu.memory_space<hbm>>
      %dma_start3A_12 = arith.constant 0 : i32
      %dma_start3A_13 = tpu.memref_slice %arg4[%mul3A_9, %dma_start3A_12] : memref<4096x64xf32, #tpu.memory_space<hbm>> -> memref<256x64xf32, #tpu.memory_space<hbm>>
      tpu.enqueue_dma source(%dma_start3A_13 : memref<256x64xf32, #tpu.memory_space<hbm>>) target(%arg9 : memref<256x64xf32, #tpu.memory_space<vmem>>) target_semaphore(%arg13 : memref<!tpu.dma_semaphore, #tpu.memory_space<semaphore_mem>>)
      %mul3A_14 = arith.constant 256 : i32
      %mul3A_15 = arith.muli %arg1, %mul3A_14 : i32
      "tpu.region"() ({
        %run_scoped3A_61 = tpu.sem_alloc : memref<!tpu.dma_semaphore, #tpu.memory_space<semaphore_mem>>
        %dma_start3A_62 = tpu.memref_slice %arg3[%mul3A_15] : memref<4096xi32, #tpu.memory_space<hbm>> -> memref<256xi32, #tpu.memory_space<hbm>>
        %dma_start3A_63 = tpu.memref_slice %arg3[%mul3A_15] : memref<4096xi32, #tpu.memory_space<hbm>> -> memref<256xi32, #tpu.memory_space<hbm>>
        tpu.enqueue_dma source(%dma_start3A_63 : memref<256xi32, #tpu.memory_space<hbm>>) target(%arg7 : memref<256xi32, #tpu.memory_space<vmem>>) target_semaphore(%run_scoped3A_61 : memref<!tpu.dma_semaphore, #tpu.memory_space<semaphore_mem>>)
        %dma_wait3A_64 = tpu.memref_slice %arg3[%mul3A_15] : memref<4096xi32, #tpu.memory_space<hbm>> -> memref<256xi32, #tpu.memory_space<hbm>>
        %dma_wait3A_65 = tpu.memref_slice %arg3[%mul3A_15] : memref<4096xi32, #tpu.memory_space<hbm>> -> memref<256xi32, #tpu.memory_space<hbm>>
        tpu.wait_dma2 semaphore(%run_scoped3A_61 : memref<!tpu.dma_semaphore, #tpu.memory_space<semaphore_mem>>) src(%dma_wait3A_65 : memref<256xi32, #tpu.memory_space<hbm>>) dst(%arg7 : memref<256xi32, #tpu.memory_space<vmem>>)
        tpu.yield
      }) : () -> ()
      %dma_start3A_16 = arith.constant 0 : i32
      %dma_start3A_17 = arith.constant 0 : i32
      %dma_start3A_18 = tpu.memref_slice %arg8[%dma_start3A_16, %dma_start3A_17] : memref<2x128xi32, #tpu.memory_space<vmem>> -> memref<1x128xi32, #tpu.memory_space<vmem>>
      %dma_start3A_19 = tpu.memref_squeeze %dma_start3A_18 : memref<1x128xi32, #tpu.memory_space<vmem>> -> memref<128xi32, #tpu.memory_space<vmem>>
      %dma_start3A_20 = arith.constant 0 : i32
      %dma_start3A_21 = tpu.memref_slice %arg7[%dma_start3A_20] : memref<256xi32, #tpu.memory_space<vmem>> -> memref<128xi32, #tpu.memory_space<vmem>>
      %dma_start3A_22 = arith.constant 0 : i32
      %dma_start3A_23 = tpu.memref_slice %arg2[%dma_start3A_22] : memref<8000xi32, #tpu.memory_space<hbm>> -> memref<8000xi32, #tpu.memory_space<hbm>>
      tpu.enqueue_indirect_dma source(%dma_start3A_23 : memref<8000xi32, #tpu.memory_space<hbm>>) target(%dma_start3A_19 : memref<128xi32, #tpu.memory_space<vmem>>) offsets(%dma_start3A_21 : memref<128xi32, #tpu.memory_space<vmem>>) semaphore(%arg11 : memref<!tpu.dma_semaphore, #tpu.memory_space<semaphore_mem>>)
      %dma_start3A_24 = arith.constant 1 : i32
      %dma_start3A_25 = arith.constant 0 : i32
      %dma_start3A_26 = tpu.memref_slice %arg8[%dma_start3A_24, %dma_start3A_25] : memref<2x128xi32, #tpu.memory_space<vmem>> -> memref<1x128xi32, #tpu.memory_space<vmem>>
      %dma_start3A_27 = tpu.memref_squeeze %dma_start3A_26 : memref<1x128xi32, #tpu.memory_space<vmem>> -> memref<128xi32, #tpu.memory_space<vmem>>
      %dma_start3A_28 = arith.constant 128 : i32
      %dma_start3A_29 = tpu.memref_slice %arg7[%dma_start3A_28] : memref<256xi32, #tpu.memory_space<vmem>> -> memref<128xi32, #tpu.memory_space<vmem>>
      %dma_start3A_30 = arith.constant 0 : i32
      %dma_start3A_31 = tpu.memref_slice %arg2[%dma_start3A_30] : memref<8000xi32, #tpu.memory_space<hbm>> -> memref<8000xi32, #tpu.memory_space<hbm>>
      tpu.enqueue_indirect_dma source(%dma_start3A_31 : memref<8000xi32, #tpu.memory_space<hbm>>) target(%dma_start3A_27 : memref<128xi32, #tpu.memory_space<vmem>>) offsets(%dma_start3A_29 : memref<128xi32, #tpu.memory_space<vmem>>) semaphore(%arg11 : memref<!tpu.dma_semaphore, #tpu.memory_space<semaphore_mem>>)
      %dma_wait3A = arith.constant 0 : i32
      %dma_wait3A_32 = arith.constant 0 : i32
      %dma_wait3A_33 = tpu.memref_slice %arg8[%dma_wait3A, %dma_wait3A_32] : memref<2x128xi32, #tpu.memory_space<vmem>> -> memref<1x128xi32, #tpu.memory_space<vmem>>
      %dma_wait3A_34 = tpu.memref_squeeze %dma_wait3A_33 : memref<1x128xi32, #tpu.memory_space<vmem>> -> memref<128xi32, #tpu.memory_space<vmem>>
      %dma_wait3A_35 = arith.constant 0 : i32
      %dma_wait3A_36 = tpu.memref_slice %arg7[%dma_wait3A_35] : memref<256xi32, #tpu.memory_space<vmem>> -> memref<128xi32, #tpu.memory_space<vmem>>
      %dma_wait3A_37 = arith.constant 0 : i32
      %dma_wait3A_38 = tpu.memref_slice %arg2[%dma_wait3A_37] : memref<8000xi32, #tpu.memory_space<hbm>> -> memref<8000xi32, #tpu.memory_space<hbm>>
      tpu.wait_indirect_dma semaphore(%arg11 : memref<!tpu.dma_semaphore, #tpu.memory_space<semaphore_mem>>) src(%dma_wait3A_38 : memref<8000xi32, #tpu.memory_space<hbm>>) dst(%dma_wait3A_34 : memref<128xi32, #tpu.memory_space<vmem>>)
      %dma_wait3A_39 = arith.constant 1 : i32
      %dma_wait3A_40 = arith.constant 0 : i32
      %dma_wait3A_41 = tpu.memref_slice %arg8[%dma_wait3A_39, %dma_wait3A_40] : memref<2x128xi32, #tpu.memory_space<vmem>> -> memref<1x128xi32, #tpu.memory_space<vmem>>
      %dma_wait3A_42 = tpu.memref_squeeze %dma_wait3A_41 : memref<1x128xi32, #tpu.memory_space<vmem>> -> memref<128xi32, #tpu.memory_space<vmem>>
      %dma_wait3A_43 = arith.constant 128 : i32
      %dma_wait3A_44 = tpu.memref_slice %arg7[%dma_wait3A_43] : memref<256xi32, #tpu.memory_space<vmem>> -> memref<128xi32, #tpu.memory_space<vmem>>
      %dma_wait3A_45 = arith.constant 0 : i32
      %dma_wait3A_46 = tpu.memref_slice %arg2[%dma_wait3A_45] : memref<8000xi32, #tpu.memory_space<hbm>> -> memref<8000xi32, #tpu.memory_space<hbm>>
      tpu.wait_indirect_dma semaphore(%arg11 : memref<!tpu.dma_semaphore, #tpu.memory_space<semaphore_mem>>) src(%dma_wait3A_46 : memref<8000xi32, #tpu.memory_space<hbm>>) dst(%dma_wait3A_42 : memref<128xi32, #tpu.memory_space<vmem>>)
      %dma_wait3A_47 = arith.constant 0 : i32
      %dma_wait3A_48 = tpu.memref_slice %arg10[%mul3A_4, %dma_wait3A_47] : memref<10240x64xf32, #tpu.memory_space<vmem_shared>> -> memref<640x64xf32, #tpu.memory_space<vmem_shared>>
      %dma_wait3A_49 = arith.constant 0 : i32
      %dma_wait3A_50 = tpu.memref_slice %arg5[%mul3A_2, %dma_wait3A_49] : memref<10240x64xf32, #tpu.memory_space<hbm>> -> memref<640x64xf32, #tpu.memory_space<hbm>>
      tpu.wait_dma2 semaphore(%arg12 : memref<!tpu.dma_semaphore, #tpu.memory_space<semaphore_mem>>) src(%dma_wait3A_50 : memref<640x64xf32, #tpu.memory_space<hbm>>) dst(%dma_wait3A_48 : memref<640x64xf32, #tpu.memory_space<vmem_shared>>)
      %dma_wait3A_51 = arith.constant 0 : i32
      %dma_wait3A_52 = tpu.memref_slice %arg4[%mul3A_9, %dma_wait3A_51] : memref<4096x64xf32, #tpu.memory_space<hbm>> -> memref<256x64xf32, #tpu.memory_space<hbm>>
      %dma_wait3A_53 = arith.constant 0 : i32
      %dma_wait3A_54 = tpu.memref_slice %arg4[%mul3A_9, %dma_wait3A_53] : memref<4096x64xf32, #tpu.memory_space<hbm>> -> memref<256x64xf32, #tpu.memory_space<hbm>>
      tpu.wait_dma2 semaphore(%arg13 : memref<!tpu.dma_semaphore, #tpu.memory_space<semaphore_mem>>) src(%dma_wait3A_54 : memref<256x64xf32, #tpu.memory_space<hbm>>) dst(%arg9 : memref<256x64xf32, #tpu.memory_space<vmem>>)
      %barrier3A = arith.constant 0 : index
      tpu.barrier barrier_id(%barrier3A)
      %run_scoped3A = arith.constant 0 : i32
      "tpu.region"() ({
        %run_scoped3A_61 = tpu.sem_alloc : memref<!tpu.dma_semaphore, #tpu.memory_space<semaphore_mem>>
        %dma_start3A_62 = arith.constant 0 : i32
        %dma_start3A_63 = arith.constant 0 : i32
        %dma_start3A_64 = tpu.memref_slice %arg9[%dma_start3A_62, %dma_start3A_63] : memref<256x64xf32, #tpu.memory_space<vmem>> -> memref<128x64xf32, #tpu.memory_space<vmem>>
        %dma_start3A_65 = arith.constant 0 : i32
        %dma_start3A_66 = tpu.memref_slice %arg8[%run_scoped3A, %dma_start3A_65] : memref<2x128xi32, #tpu.memory_space<vmem>> -> memref<1x128xi32, #tpu.memory_space<vmem>>
        %dma_start3A_67 = tpu.memref_squeeze %dma_start3A_66 : memref<1x128xi32, #tpu.memory_space<vmem>> -> memref<128xi32, #tpu.memory_space<vmem>>
        %dma_start3A_68 = arith.constant 0 : i32
        %dma_start3A_69 = arith.constant 0 : i32
        %dma_start3A_70 = tpu.memref_slice %arg10[%dma_start3A_68, %dma_start3A_69] : memref<10240x64xf32, #tpu.memory_space<vmem_shared>> -> memref<10240x64xf32, #tpu.memory_space<vmem_shared>>
        tpu.enqueue_indirect_dma source(%dma_start3A_64 : memref<128x64xf32, #tpu.memory_space<vmem>>) target(%dma_start3A_70 : memref<10240x64xf32, #tpu.memory_space<vmem_shared>>) offsets(%dma_start3A_67 : memref<128xi32, #tpu.memory_space<vmem>>) semaphore(%run_scoped3A_61 : memref<!tpu.dma_semaphore, #tpu.memory_space<semaphore_mem>>) {add = true}
        %dma_wait3A_71 = arith.constant 0 : i32
        %dma_wait3A_72 = arith.constant 0 : i32
        %dma_wait3A_73 = tpu.memref_slice %arg9[%dma_wait3A_71, %dma_wait3A_72] : memref<256x64xf32, #tpu.memory_space<vmem>> -> memref<128x64xf32, #tpu.memory_space<vmem>>
        %dma_wait3A_74 = arith.constant 0 : i32
        %dma_wait3A_75 = tpu.memref_slice %arg8[%run_scoped3A, %dma_wait3A_74] : memref<2x128xi32, #tpu.memory_space<vmem>> -> memref<1x128xi32, #tpu.memory_space<vmem>>
        %dma_wait3A_76 = tpu.memref_squeeze %dma_wait3A_75 : memref<1x128xi32, #tpu.memory_space<vmem>> -> memref<128xi32, #tpu.memory_space<vmem>>
        %dma_wait3A_77 = arith.constant 0 : i32
        %dma_wait3A_78 = arith.constant 0 : i32
        %dma_wait3A_79 = tpu.memref_slice %arg10[%dma_wait3A_77, %dma_wait3A_78] : memref<10240x64xf32, #tpu.memory_space<vmem_shared>> -> memref<10240x64xf32, #tpu.memory_space<vmem_shared>>
        tpu.wait_indirect_dma semaphore(%run_scoped3A_61 : memref<!tpu.dma_semaphore, #tpu.memory_space<semaphore_mem>>) src(%dma_wait3A_73 : memref<128x64xf32, #tpu.memory_space<vmem>>) dst(%dma_wait3A_79 : memref<10240x64xf32, #tpu.memory_space<vmem_shared>>)
        tpu.yield
      }) : () -> ()
      %run_scoped3A_55 = arith.constant 1 : i32
      "tpu.region"() ({
        %run_scoped3A_61 = tpu.sem_alloc : memref<!tpu.dma_semaphore, #tpu.memory_space<semaphore_mem>>
        %dma_start3A_62 = arith.constant 128 : i32
        %dma_start3A_63 = arith.constant 0 : i32
        %dma_start3A_64 = tpu.memref_slice %arg9[%dma_start3A_62, %dma_start3A_63] : memref<256x64xf32, #tpu.memory_space<vmem>> -> memref<128x64xf32, #tpu.memory_space<vmem>>
        %dma_start3A_65 = arith.constant 0 : i32
        %dma_start3A_66 = tpu.memref_slice %arg8[%run_scoped3A_55, %dma_start3A_65] : memref<2x128xi32, #tpu.memory_space<vmem>> -> memref<1x128xi32, #tpu.memory_space<vmem>>
        %dma_start3A_67 = tpu.memref_squeeze %dma_start3A_66 : memref<1x128xi32, #tpu.memory_space<vmem>> -> memref<128xi32, #tpu.memory_space<vmem>>
        %dma_start3A_68 = arith.constant 0 : i32
        %dma_start3A_69 = arith.constant 0 : i32
        %dma_start3A_70 = tpu.memref_slice %arg10[%dma_start3A_68, %dma_start3A_69] : memref<10240x64xf32, #tpu.memory_space<vmem_shared>> -> memref<10240x64xf32, #tpu.memory_space<vmem_shared>>
        tpu.enqueue_indirect_dma source(%dma_start3A_64 : memref<128x64xf32, #tpu.memory_space<vmem>>) target(%dma_start3A_70 : memref<10240x64xf32, #tpu.memory_space<vmem_shared>>) offsets(%dma_start3A_67 : memref<128xi32, #tpu.memory_space<vmem>>) semaphore(%run_scoped3A_61 : memref<!tpu.dma_semaphore, #tpu.memory_space<semaphore_mem>>) {add = true}
        %dma_wait3A_71 = arith.constant 128 : i32
        %dma_wait3A_72 = arith.constant 0 : i32
        %dma_wait3A_73 = tpu.memref_slice %arg9[%dma_wait3A_71, %dma_wait3A_72] : memref<256x64xf32, #tpu.memory_space<vmem>> -> memref<128x64xf32, #tpu.memory_space<vmem>>
        %dma_wait3A_74 = arith.constant 0 : i32
        %dma_wait3A_75 = tpu.memref_slice %arg8[%run_scoped3A_55, %dma_wait3A_74] : memref<2x128xi32, #tpu.memory_space<vmem>> -> memref<1x128xi32, #tpu.memory_space<vmem>>
        %dma_wait3A_76 = tpu.memref_squeeze %dma_wait3A_75 : memref<1x128xi32, #tpu.memory_space<vmem>> -> memref<128xi32, #tpu.memory_space<vmem>>
        %dma_wait3A_77 = arith.constant 0 : i32
        %dma_wait3A_78 = arith.constant 0 : i32
        %dma_wait3A_79 = tpu.memref_slice %arg10[%dma_wait3A_77, %dma_wait3A_78] : memref<10240x64xf32, #tpu.memory_space<vmem_shared>> -> memref<10240x64xf32, #tpu.memory_space<vmem_shared>>
        tpu.wait_indirect_dma semaphore(%run_scoped3A_61 : memref<!tpu.dma_semaphore, #tpu.memory_space<semaphore_mem>>) src(%dma_wait3A_73 : memref<128x64xf32, #tpu.memory_space<vmem>>) dst(%dma_wait3A_79 : memref<10240x64xf32, #tpu.memory_space<vmem_shared>>)
        tpu.yield
      }) : () -> ()
      %barrier3A_56 = arith.constant 0 : index
      tpu.barrier barrier_id(%barrier3A_56)
      %mul3A_57 = arith.constant 640 : i32
      %mul3A_58 = arith.muli %arg1, %mul3A_57 : i32
      %mul3A_59 = arith.constant 640 : i32
      %mul3A_60 = arith.muli %arg1, %mul3A_59 : i32
      "tpu.region"() ({
        %run_scoped3A_61 = tpu.sem_alloc : memref<!tpu.dma_semaphore, #tpu.memory_space<semaphore_mem>>
        %dma_start3A_62 = arith.constant 0 : i32
        %dma_start3A_63 = tpu.memref_slice %arg6[%mul3A_60, %dma_start3A_62] : memref<10240x64xf32, #tpu.memory_space<hbm>> -> memref<640x64xf32, #tpu.memory_space<hbm>>
        %dma_start3A_64 = arith.constant 0 : i32
        %dma_start3A_65 = tpu.memref_slice %arg10[%mul3A_58, %dma_start3A_64] : memref<10240x64xf32, #tpu.memory_space<vmem_shared>> -> memref<640x64xf32, #tpu.memory_space<vmem_shared>>
        tpu.enqueue_dma source(%dma_start3A_65 : memref<640x64xf32, #tpu.memory_space<vmem_shared>>) target(%dma_start3A_63 : memref<640x64xf32, #tpu.memory_space<hbm>>) target_semaphore(%run_scoped3A_61 : memref<!tpu.dma_semaphore, #tpu.memory_space<semaphore_mem>>)
        %dma_wait3A_66 = arith.constant 0 : i32
        %dma_wait3A_67 = tpu.memref_slice %arg6[%mul3A_60, %dma_wait3A_66] : memref<10240x64xf32, #tpu.memory_space<hbm>> -> memref<640x64xf32, #tpu.memory_space<hbm>>
        %dma_wait3A_68 = arith.constant 0 : i32
        %dma_wait3A_69 = tpu.memref_slice %arg10[%mul3A_58, %dma_wait3A_68] : memref<10240x64xf32, #tpu.memory_space<vmem_shared>> -> memref<640x64xf32, #tpu.memory_space<vmem_shared>>
        tpu.wait_dma2 semaphore(%run_scoped3A_61 : memref<!tpu.dma_semaphore, #tpu.memory_space<semaphore_mem>>) src(%dma_wait3A_69 : memref<640x64xf32, #tpu.memory_space<vmem_shared>>) dst(%dma_wait3A_67 : memref<640x64xf32, #tpu.memory_space<hbm>>)
        tpu.yield
      }) : () -> ()
    } else {
    }
    return
  }
}

module attributes {stable_mosaic.version = 14 : i64} {
  func.func @_tc_body(%arg0: i32, %arg1: i32, %arg2: memref<1x256x10000xf32, #tpu.memory_space<vmem>>, %arg3: memref<10240x64xf32, #tpu.memory_space<vmem>>, %arg4: memref<1x1x64xf32, #tpu.memory_space<vmem>>, %arg5: memref<1x64xf32, #tpu.memory_space<vmem>>, %arg6: memref<1x16xf32, #tpu.memory_space<smem>>, %arg7: memref<1x1xf32, #tpu.memory_space<smem>>, %arg8: memref<512x64xf32, #tpu.memory_space<vmem>>) attributes {dimension_semantics = [#tpu.dimension_semantics<arbitrary>, #tpu.dimension_semantics<arbitrary>], iteration_bounds = array<i64: 2, 14>, scalar_prefetch = 0 : i64, scratch_operands = 1 : i64, tpu.core_type = #tpu.core_type<tc>, window_params = [{transform_indices = @transform_0, window_bounds = array<i64: 1, 256, 10000>}, {pipeline_mode = #tpu.pipeline_mode<synchronous>, transform_indices = @transform_1, window_bounds = array<i64: 10240, 64>}, {transform_indices = @transform_2, window_bounds = array<i64: 1, 1, 64>}, {pipeline_mode = #tpu.pipeline_mode<synchronous>, transform_indices = @transform_3, window_bounds = array<i64: 1, 64>}, {transform_indices = @transform_4, window_bounds = array<i64: 1, 16>}, {transform_indices = @transform_5, window_bounds = array<i64: 1, 1>}]} {
    %get3A = arith.constant 0 : index
    %get3A_0 = arith.constant 0 : index
    %get3A_1 = arith.constant 0 : index
    %get3A_2 = vector.load %arg2[%get3A, %get3A_0, %get3A_1] : memref<1x256x10000xf32, #tpu.memory_space<vmem>>, vector<1x256x10000xf32>
    %get3A_3 = vector.shape_cast %get3A_2 : vector<1x256x10000xf32> to vector<256x10000xf32>
    %get3A_4 = arith.constant 0 : index
    %get3A_5 = arith.constant 0 : index
    %get3A_6 = vector.load %arg3[%get3A_4, %get3A_5] : memref<10240x64xf32, #tpu.memory_space<vmem>>, vector<10000x64xf32>
    %dot_general3A = arith.constant dense<0.000000e+00> : vector<256x64xf32>
    %dot_general3A_7 = tpu.matmul %get3A_3, %get3A_6, %dot_general3A {dimension_numbers = #tpu.dot_dimension_numbers<[1], [0], [0], [1], [0, 0, 1, 1], [], []>, transpose_lhs_hint = false} : vector<256x10000xf32>, vector<10000x64xf32>, vector<256x64xf32> -> vector<256x64xf32>
    %get3A_8 = arith.constant 0 : index
    %get3A_9 = arith.constant 0 : index
    %get3A_10 = arith.constant 0 : index
    %get3A_11 = vector.load %arg4[%get3A_8, %get3A_9, %get3A_10] : memref<1x1x64xf32, #tpu.memory_space<vmem>>, vector<1x1x64xf32>
    %get3A_12 = vector.shape_cast %get3A_11 : vector<1x1x64xf32> to vector<1x64xf32>
    %mul3A = vector.broadcast %get3A_12 : vector<1x64xf32> to vector<256x64xf32>
    %mul3A_13 = arith.mulf %dot_general3A_7, %mul3A : vector<256x64xf32>
    %eq3A = arith.constant 0 : i32
    %eq3A_14 = arith.cmpi eq, %arg1, %eq3A : i32
    %convert_element_type3A = arith.extui %eq3A_14 : i1 to i32
    %cond3A = arith.constant 0 : i32
    %cond3A_15 = arith.cmpi ne, %convert_element_type3A, %cond3A : i32
    scf.if %cond3A_15 {
      %mul3A_27 = arith.constant 256 : i32
      %mul3A_28 = arith.muli %arg0, %mul3A_27 : i32
      %swap3A = arith.index_cast %mul3A_28 : i32 to index
      %swap3A_29 = arith.constant 0 : index
      %swap3A_30 = vector.load %arg8[%swap3A, %swap3A_29] : memref<512x64xf32, #tpu.memory_space<vmem>>, vector<256x64xf32>
      tpu.vector_store %arg8[%swap3A, %swap3A_29], %mul3A_13 {strides = array<i32>} : memref<512x64xf32, #tpu.memory_space<vmem>>, vector<256x64xf32>,
    } else {
    }
    %ne3A = arith.constant 0 : i32
    %ne3A_16 = arith.cmpi ne, %arg1, %ne3A : i32
    %convert_element_type3A_17 = arith.extui %ne3A_16 : i1 to i32
    %cond3A_18 = arith.constant 0 : i32
    %cond3A_19 = arith.cmpi ne, %convert_element_type3A_17, %cond3A_18 : i32
    scf.if %cond3A_19 {
      %mul3A_27 = arith.constant 256 : i32
      %mul3A_28 = arith.muli %arg0, %mul3A_27 : i32
      %get3A_29 = arith.index_cast %mul3A_28 : i32 to index
      %get3A_30 = arith.constant 0 : index
      %get3A_31 = vector.load %arg8[%get3A_29, %get3A_30] : memref<512x64xf32, #tpu.memory_space<vmem>>, vector<256x64xf32>
      %add3A = arith.addf %get3A_31, %mul3A_13 : vector<256x64xf32>
      %mul3A_32 = arith.constant 256 : i32
      %mul3A_33 = arith.muli %arg0, %mul3A_32 : i32
      %swap3A = arith.index_cast %mul3A_33 : i32 to index
      %swap3A_34 = arith.constant 0 : index
      %swap3A_35 = vector.load %arg8[%swap3A, %swap3A_34] : memref<512x64xf32, #tpu.memory_space<vmem>>, vector<256x64xf32>
      tpu.vector_store %arg8[%swap3A, %swap3A_34], %add3A {strides = array<i32>} : memref<512x64xf32, #tpu.memory_space<vmem>>, vector<256x64xf32>,
    } else {
    }
    %eq3A_20 = arith.constant 1 : i32
    %eq3A_21 = arith.cmpi eq, %arg0, %eq3A_20 : i32
    %eq3A_22 = arith.constant 13 : i32
    %eq3A_23 = arith.cmpi eq, %arg1, %eq3A_22 : i32
    %and3A = arith.andi %eq3A_21, %eq3A_23 : i1
    %convert_element_type3A_24 = arith.extui %and3A : i1 to i32
    %cond3A_25 = arith.constant 0 : i32
    %cond3A_26 = arith.cmpi ne, %convert_element_type3A_24, %cond3A_25 : i32
    scf.if %cond3A_26 {
      %get3A_27 = arith.constant 0 : index
      %get3A_28 = arith.constant 0 : index
      %get3A_29 = vector.load %arg8[%get3A_27, %get3A_28] : memref<512x64xf32, #tpu.memory_space<vmem>>, vector<512x64xf32>
      %get3A_30 = arith.constant 0 : index
      %get3A_31 = arith.constant 0 : index
      %get3A_32 = vector.load %arg5[%get3A_30, %get3A_31] : memref<1x64xf32, #tpu.memory_space<vmem>>, vector<1x64xf32>
      %slice3A = vector.extract_strided_slice %get3A_29 {offsets = [0, 0], sizes = [500, 64], strides = [1, 1]} : vector<512x64xf32> to vector<500x64xf32>
      %reshape3A = vector.shape_cast %slice3A : vector<500x64xf32> to vector<500x1x64xf32>
      %reduce_sum3A = arith.constant dense<0.000000e+00> : vector<500x64xf32>
      %reduce_sum3A_33 = vector.multi_reduction <add>, %reshape3A, %reduce_sum3A [1] : vector<500x1x64xf32> to vector<500x64xf32>
      %reduce_sum3A_34 = arith.constant dense<0.000000e+00> : vector<64xf32>
      %reduce_sum3A_35 = vector.multi_reduction <add>, %reduce_sum3A_33, %reduce_sum3A_34 [0] : vector<500x64xf32> to vector<64xf32>
      %broadcast_in_dim3A = vector.shape_cast %reduce_sum3A_35 : vector<64xf32> to vector<1x64xf32>
      %div3A = arith.constant 5.000000e+02 : f32
      %div3A_36 = vector.broadcast %div3A : f32 to vector<1x64xf32>
      %div3A_37 = arith.divf %broadcast_in_dim3A, %div3A_36 : vector<1x64xf32>
      %sub3A = vector.broadcast %div3A_37 : vector<1x64xf32> to vector<500x64xf32>
      %sub3A_38 = arith.subf %reduce_sum3A_33, %sub3A : vector<500x64xf32>
      %integer_pow3A = arith.mulf %sub3A_38, %sub3A_38 : vector<500x64xf32>
      %reduce_sum3A_39 = arith.constant dense<0.000000e+00> : vector<64xf32>
      %reduce_sum3A_40 = vector.multi_reduction <add>, %integer_pow3A, %reduce_sum3A_39 [0] : vector<500x64xf32> to vector<64xf32>
      %broadcast_in_dim3A_41 = vector.shape_cast %reduce_sum3A_40 : vector<64xf32> to vector<1x64xf32>
      %div3A_42 = arith.constant 5.000000e+02 : f32
      %div3A_43 = vector.broadcast %div3A_42 : f32 to vector<1x64xf32>
      %div3A_44 = arith.divf %broadcast_in_dim3A_41, %div3A_43 : vector<1x64xf32>
      %max3A = arith.constant 1.000000e-07 : f32
      %max3A_45 = vector.broadcast %max3A : f32 to vector<1x64xf32>
      %max3A_46 = arith.maximumf %div3A_37, %max3A_45 : vector<1x64xf32>
      %div3A_47 = arith.divf %div3A_44, %max3A_46 : vector<1x64xf32>
      %mul3A_48 = arith.mulf %div3A_47, %get3A_32 : vector<1x64xf32>
      %reduce_sum3A_49 = vector.shape_cast %mul3A_48 : vector<1x64xf32> to vector<1x1x64xf32>
      %reduce_sum3A_50 = arith.constant dense<0.000000e+00> : vector<1xf32>
      %reduce_sum3A_51 = vector.multi_reduction <add>, %reduce_sum3A_49, %reduce_sum3A_50 [1, 2] : vector<1x1x64xf32> to vector<1xf32>
      %reduce_sum3A_52 = vector.shape_cast %reduce_sum3A_51 : vector<1xf32> to vector<1x1x1xf32>
      %reduce_sum3A_53 = vector.extract %reduce_sum3A_52[0, 0, 0] : f32 from vector<1x1x1xf32>
      %div3A_54 = arith.constant 5.000000e+01 : f32
      %div3A_55 = arith.divf %reduce_sum3A_53, %div3A_54 : f32
      %get3A_56 = arith.constant 0 : index
      %get3A_57 = arith.constant 0 : index
      %get3A_58 = memref.load %arg6[%get3A_56, %get3A_57] : memref<1x16xf32, #tpu.memory_space<smem>>
      %sub3A_59 = arith.subf %get3A_58, %div3A_55 : f32
      %mul3A_60 = arith.mulf %sub3A_59, %sub3A_59 : f32
      %add3A = arith.constant 0.000000e+00 : f32
      %add3A_61 = arith.addf %add3A, %mul3A_60 : f32
      %slice3A_62 = vector.extract_strided_slice %get3A_29 {offsets = [0, 0], sizes = [500, 64], strides = [1, 1]} : vector<512x64xf32> to vector<500x64xf32>
      %reshape3A_63 = vector.shape_cast %slice3A_62 : vector<500x64xf32> to vector<500x1x64xf32>
      %reduce_sum3A_64 = arith.constant dense<0.000000e+00> : vector<500x64xf32>
      %reduce_sum3A_65 = vector.multi_reduction <add>, %reshape3A_63, %reduce_sum3A_64 [1] : vector<500x1x64xf32> to vector<500x64xf32>
      %reduce_sum3A_66 = arith.constant dense<0.000000e+00> : vector<64xf32>
      %reduce_sum3A_67 = vector.multi_reduction <add>, %reduce_sum3A_65, %reduce_sum3A_66 [0] : vector<500x64xf32> to vector<64xf32>
      %broadcast_in_dim3A_68 = vector.shape_cast %reduce_sum3A_67 : vector<64xf32> to vector<1x64xf32>
      %div3A_69 = arith.constant 5.000000e+02 : f32
      %div3A_70 = vector.broadcast %div3A_69 : f32 to vector<1x64xf32>
      %div3A_71 = arith.divf %broadcast_in_dim3A_68, %div3A_70 : vector<1x64xf32>
      %sub3A_72 = vector.broadcast %div3A_71 : vector<1x64xf32> to vector<500x64xf32>
      %sub3A_73 = arith.subf %reduce_sum3A_65, %sub3A_72 : vector<500x64xf32>
      %integer_pow3A_74 = arith.mulf %sub3A_73, %sub3A_73 : vector<500x64xf32>
      %reduce_sum3A_75 = arith.constant dense<0.000000e+00> : vector<64xf32>
      %reduce_sum3A_76 = vector.multi_reduction <add>, %integer_pow3A_74, %reduce_sum3A_75 [0] : vector<500x64xf32> to vector<64xf32>
      %broadcast_in_dim3A_77 = vector.shape_cast %reduce_sum3A_76 : vector<64xf32> to vector<1x64xf32>
      %div3A_78 = arith.constant 5.000000e+02 : f32
      %div3A_79 = vector.broadcast %div3A_78 : f32 to vector<1x64xf32>
      %div3A_80 = arith.divf %broadcast_in_dim3A_77, %div3A_79 : vector<1x64xf32>
      %max3A_81 = arith.constant 1.000000e-07 : f32
      %max3A_82 = vector.broadcast %max3A_81 : f32 to vector<1x64xf32>
      %max3A_83 = arith.maximumf %div3A_71, %max3A_82 : vector<1x64xf32>
      %div3A_84 = arith.divf %div3A_80, %max3A_83 : vector<1x64xf32>
      %mul3A_85 = arith.mulf %div3A_84, %get3A_32 : vector<1x64xf32>
      %reduce_sum3A_86 = vector.shape_cast %mul3A_85 : vector<1x64xf32> to vector<1x1x64xf32>
      %reduce_sum3A_87 = arith.constant dense<0.000000e+00> : vector<1xf32>
      %reduce_sum3A_88 = vector.multi_reduction <add>, %reduce_sum3A_86, %reduce_sum3A_87 [1, 2] : vector<1x1x64xf32> to vector<1xf32>
      %reduce_sum3A_89 = vector.shape_cast %reduce_sum3A_88 : vector<1xf32> to vector<1x1x1xf32>
      %reduce_sum3A_90 = vector.extract %reduce_sum3A_89[0, 0, 0] : f32 from vector<1x1x1xf32>
      %div3A_91 = arith.constant 5.000000e+01 : f32
      %div3A_92 = arith.divf %reduce_sum3A_90, %div3A_91 : f32
      %get3A_93 = arith.constant 0 : index
      %get3A_94 = arith.constant 1 : index
      %get3A_95 = memref.load %arg6[%get3A_93, %get3A_94] : memref<1x16xf32, #tpu.memory_space<smem>>
      %sub3A_96 = arith.subf %get3A_95, %div3A_92 : f32
      %mul3A_97 = arith.mulf %sub3A_96, %sub3A_96 : f32
      %add3A_98 = arith.addf %add3A_61, %mul3A_97 : f32
      %slice3A_99 = vector.extract_strided_slice %get3A_29 {offsets = [0, 0], sizes = [500, 64], strides = [1, 1]} : vector<512x64xf32> to vector<500x64xf32>
      %reshape3A_100 = vector.shape_cast %slice3A_99 : vector<500x64xf32> to vector<250x2x64xf32>
      %reduce_sum3A_101 = arith.constant dense<0.000000e+00> : vector<250x64xf32>
      %reduce_sum3A_102 = vector.multi_reduction <add>, %reshape3A_100, %reduce_sum3A_101 [1] : vector<250x2x64xf32> to vector<250x64xf32>
      %reduce_sum3A_103 = arith.constant dense<0.000000e+00> : vector<64xf32>
      %reduce_sum3A_104 = vector.multi_reduction <add>, %reduce_sum3A_102, %reduce_sum3A_103 [0] : vector<250x64xf32> to vector<64xf32>
      %broadcast_in_dim3A_105 = vector.shape_cast %reduce_sum3A_104 : vector<64xf32> to vector<1x64xf32>
      %div3A_106 = arith.constant 2.500000e+02 : f32
      %div3A_107 = vector.broadcast %div3A_106 : f32 to vector<1x64xf32>
      %div3A_108 = arith.divf %broadcast_in_dim3A_105, %div3A_107 : vector<1x64xf32>
      %sub3A_109 = vector.broadcast %div3A_108 : vector<1x64xf32> to vector<250x64xf32>
      %sub3A_110 = arith.subf %reduce_sum3A_102, %sub3A_109 : vector<250x64xf32>
      %integer_pow3A_111 = arith.mulf %sub3A_110, %sub3A_110 : vector<250x64xf32>
      %reduce_sum3A_112 = arith.constant dense<0.000000e+00> : vector<64xf32>
      %reduce_sum3A_113 = vector.multi_reduction <add>, %integer_pow3A_111, %reduce_sum3A_112 [0] : vector<250x64xf32> to vector<64xf32>
      %broadcast_in_dim3A_114 = vector.shape_cast %reduce_sum3A_113 : vector<64xf32> to vector<1x64xf32>
      %div3A_115 = arith.constant 2.500000e+02 : f32
      %div3A_116 = vector.broadcast %div3A_115 : f32 to vector<1x64xf32>
      %div3A_117 = arith.divf %broadcast_in_dim3A_114, %div3A_116 : vector<1x64xf32>
      %max3A_118 = arith.constant 1.000000e-07 : f32
      %max3A_119 = vector.broadcast %max3A_118 : f32 to vector<1x64xf32>
      %max3A_120 = arith.maximumf %div3A_108, %max3A_119 : vector<1x64xf32>
      %div3A_121 = arith.divf %div3A_117, %max3A_120 : vector<1x64xf32>
      %mul3A_122 = arith.mulf %div3A_121, %get3A_32 : vector<1x64xf32>
      %reduce_sum3A_123 = vector.shape_cast %mul3A_122 : vector<1x64xf32> to vector<1x1x64xf32>
      %reduce_sum3A_124 = arith.constant dense<0.000000e+00> : vector<1xf32>
      %reduce_sum3A_125 = vector.multi_reduction <add>, %reduce_sum3A_123, %reduce_sum3A_124 [1, 2] : vector<1x1x64xf32> to vector<1xf32>
      %reduce_sum3A_126 = vector.shape_cast %reduce_sum3A_125 : vector<1xf32> to vector<1x1x1xf32>
      %reduce_sum3A_127 = vector.extract %reduce_sum3A_126[0, 0, 0] : f32 from vector<1x1x1xf32>
      %div3A_128 = arith.constant 5.000000e+01 : f32
      %div3A_129 = arith.divf %reduce_sum3A_127, %div3A_128 : f32
      %get3A_130 = arith.constant 0 : index
      %get3A_131 = arith.constant 2 : index
      %get3A_132 = memref.load %arg6[%get3A_130, %get3A_131] : memref<1x16xf32, #tpu.memory_space<smem>>
      %sub3A_133 = arith.subf %get3A_132, %div3A_129 : f32
      %mul3A_134 = arith.mulf %sub3A_133, %sub3A_133 : f32
      %add3A_135 = arith.addf %add3A_98, %mul3A_134 : f32
      %slice3A_136 = vector.extract_strided_slice %get3A_29 {offsets = [0, 0], sizes = [498, 64], strides = [1, 1]} : vector<512x64xf32> to vector<498x64xf32>
      %reshape3A_137 = vector.shape_cast %slice3A_136 : vector<498x64xf32> to vector<166x3x64xf32>
      %reduce_sum3A_138 = arith.constant dense<0.000000e+00> : vector<166x64xf32>
      %reduce_sum3A_139 = vector.multi_reduction <add>, %reshape3A_137, %reduce_sum3A_138 [1] : vector<166x3x64xf32> to vector<166x64xf32>
      %reduce_sum3A_140 = arith.constant dense<0.000000e+00> : vector<64xf32>
      %reduce_sum3A_141 = vector.multi_reduction <add>, %reduce_sum3A_139, %reduce_sum3A_140 [0] : vector<166x64xf32> to vector<64xf32>
      %broadcast_in_dim3A_142 = vector.shape_cast %reduce_sum3A_141 : vector<64xf32> to vector<1x64xf32>
      %div3A_143 = arith.constant 1.660000e+02 : f32
      %div3A_144 = vector.broadcast %div3A_143 : f32 to vector<1x64xf32>
      %div3A_145 = arith.divf %broadcast_in_dim3A_142, %div3A_144 : vector<1x64xf32>
      %sub3A_146 = vector.broadcast %div3A_145 : vector<1x64xf32> to vector<166x64xf32>
      %sub3A_147 = arith.subf %reduce_sum3A_139, %sub3A_146 : vector<166x64xf32>
      %integer_pow3A_148 = arith.mulf %sub3A_147, %sub3A_147 : vector<166x64xf32>
      %reduce_sum3A_149 = arith.constant dense<0.000000e+00> : vector<64xf32>
      %reduce_sum3A_150 = vector.multi_reduction <add>, %integer_pow3A_148, %reduce_sum3A_149 [0] : vector<166x64xf32> to vector<64xf32>
      %broadcast_in_dim3A_151 = vector.shape_cast %reduce_sum3A_150 : vector<64xf32> to vector<1x64xf32>
      %div3A_152 = arith.constant 1.660000e+02 : f32
      %div3A_153 = vector.broadcast %div3A_152 : f32 to vector<1x64xf32>
      %div3A_154 = arith.divf %broadcast_in_dim3A_151, %div3A_153 : vector<1x64xf32>
      %max3A_155 = arith.constant 1.000000e-07 : f32
      %max3A_156 = vector.broadcast %max3A_155 : f32 to vector<1x64xf32>
      %max3A_157 = arith.maximumf %div3A_145, %max3A_156 : vector<1x64xf32>
      %div3A_158 = arith.divf %div3A_154, %max3A_157 : vector<1x64xf32>
      %mul3A_159 = arith.mulf %div3A_158, %get3A_32 : vector<1x64xf32>
      %reduce_sum3A_160 = vector.shape_cast %mul3A_159 : vector<1x64xf32> to vector<1x1x64xf32>
      %reduce_sum3A_161 = arith.constant dense<0.000000e+00> : vector<1xf32>
      %reduce_sum3A_162 = vector.multi_reduction <add>, %reduce_sum3A_160, %reduce_sum3A_161 [1, 2] : vector<1x1x64xf32> to vector<1xf32>
      %reduce_sum3A_163 = vector.shape_cast %reduce_sum3A_162 : vector<1xf32> to vector<1x1x1xf32>
      %reduce_sum3A_164 = vector.extract %reduce_sum3A_163[0, 0, 0] : f32 from vector<1x1x1xf32>
      %div3A_165 = arith.constant 5.000000e+01 : f32
      %div3A_166 = arith.divf %reduce_sum3A_164, %div3A_165 : f32
      %get3A_167 = arith.constant 0 : index
      %get3A_168 = arith.constant 3 : index
      %get3A_169 = memref.load %arg6[%get3A_167, %get3A_168] : memref<1x16xf32, #tpu.memory_space<smem>>
      %sub3A_170 = arith.subf %get3A_169, %div3A_166 : f32
      %mul3A_171 = arith.mulf %sub3A_170, %sub3A_170 : f32
      %add3A_172 = arith.addf %add3A_135, %mul3A_171 : f32
      %slice3A_173 = vector.extract_strided_slice %get3A_29 {offsets = [0, 0], sizes = [500, 64], strides = [1, 1]} : vector<512x64xf32> to vector<500x64xf32>
      %reshape3A_174 = vector.shape_cast %slice3A_173 : vector<500x64xf32> to vector<125x4x64xf32>
      %reduce_sum3A_175 = arith.constant dense<0.000000e+00> : vector<125x64xf32>
      %reduce_sum3A_176 = vector.multi_reduction <add>, %reshape3A_174, %reduce_sum3A_175 [1] : vector<125x4x64xf32> to vector<125x64xf32>
      %reduce_sum3A_177 = arith.constant dense<0.000000e+00> : vector<64xf32>
      %reduce_sum3A_178 = vector.multi_reduction <add>, %reduce_sum3A_176, %reduce_sum3A_177 [0] : vector<125x64xf32> to vector<64xf32>
      %broadcast_in_dim3A_179 = vector.shape_cast %reduce_sum3A_178 : vector<64xf32> to vector<1x64xf32>
      %div3A_180 = arith.constant 1.250000e+02 : f32
      %div3A_181 = vector.broadcast %div3A_180 : f32 to vector<1x64xf32>
      %div3A_182 = arith.divf %broadcast_in_dim3A_179, %div3A_181 : vector<1x64xf32>
      %sub3A_183 = vector.broadcast %div3A_182 : vector<1x64xf32> to vector<125x64xf32>
      %sub3A_184 = arith.subf %reduce_sum3A_176, %sub3A_183 : vector<125x64xf32>
      %integer_pow3A_185 = arith.mulf %sub3A_184, %sub3A_184 : vector<125x64xf32>
      %reduce_sum3A_186 = arith.constant dense<0.000000e+00> : vector<64xf32>
      %reduce_sum3A_187 = vector.multi_reduction <add>, %integer_pow3A_185, %reduce_sum3A_186 [0] : vector<125x64xf32> to vector<64xf32>
      %broadcast_in_dim3A_188 = vector.shape_cast %reduce_sum3A_187 : vector<64xf32> to vector<1x64xf32>
      %div3A_189 = arith.constant 1.250000e+02 : f32
      %div3A_190 = vector.broadcast %div3A_189 : f32 to vector<1x64xf32>
      %div3A_191 = arith.divf %broadcast_in_dim3A_188, %div3A_190 : vector<1x64xf32>
      %max3A_192 = arith.constant 1.000000e-07 : f32
      %max3A_193 = vector.broadcast %max3A_192 : f32 to vector<1x64xf32>
      %max3A_194 = arith.maximumf %div3A_182, %max3A_193 : vector<1x64xf32>
      %div3A_195 = arith.divf %div3A_191, %max3A_194 : vector<1x64xf32>
      %mul3A_196 = arith.mulf %div3A_195, %get3A_32 : vector<1x64xf32>
      %reduce_sum3A_197 = vector.shape_cast %mul3A_196 : vector<1x64xf32> to vector<1x1x64xf32>
      %reduce_sum3A_198 = arith.constant dense<0.000000e+00> : vector<1xf32>
      %reduce_sum3A_199 = vector.multi_reduction <add>, %reduce_sum3A_197, %reduce_sum3A_198 [1, 2] : vector<1x1x64xf32> to vector<1xf32>
      %reduce_sum3A_200 = vector.shape_cast %reduce_sum3A_199 : vector<1xf32> to vector<1x1x1xf32>
      %reduce_sum3A_201 = vector.extract %reduce_sum3A_200[0, 0, 0] : f32 from vector<1x1x1xf32>
      %div3A_202 = arith.constant 5.000000e+01 : f32
      %div3A_203 = arith.divf %reduce_sum3A_201, %div3A_202 : f32
      %get3A_204 = arith.constant 0 : index
      %get3A_205 = arith.constant 4 : index
      %get3A_206 = memref.load %arg6[%get3A_204, %get3A_205] : memref<1x16xf32, #tpu.memory_space<smem>>
      %sub3A_207 = arith.subf %get3A_206, %div3A_203 : f32
      %mul3A_208 = arith.mulf %sub3A_207, %sub3A_207 : f32
      %add3A_209 = arith.addf %add3A_172, %mul3A_208 : f32
      %slice3A_210 = vector.extract_strided_slice %get3A_29 {offsets = [0, 0], sizes = [498, 64], strides = [1, 1]} : vector<512x64xf32> to vector<498x64xf32>
      %reshape3A_211 = vector.shape_cast %slice3A_210 : vector<498x64xf32> to vector<83x6x64xf32>
      %reduce_sum3A_212 = arith.constant dense<0.000000e+00> : vector<83x64xf32>
      %reduce_sum3A_213 = vector.multi_reduction <add>, %reshape3A_211, %reduce_sum3A_212 [1] : vector<83x6x64xf32> to vector<83x64xf32>
      %reduce_sum3A_214 = arith.constant dense<0.000000e+00> : vector<64xf32>
      %reduce_sum3A_215 = vector.multi_reduction <add>, %reduce_sum3A_213, %reduce_sum3A_214 [0] : vector<83x64xf32> to vector<64xf32>
      %broadcast_in_dim3A_216 = vector.shape_cast %reduce_sum3A_215 : vector<64xf32> to vector<1x64xf32>
      %div3A_217 = arith.constant 8.300000e+01 : f32
      %div3A_218 = vector.broadcast %div3A_217 : f32 to vector<1x64xf32>
      %div3A_219 = arith.divf %broadcast_in_dim3A_216, %div3A_218 : vector<1x64xf32>
      %sub3A_220 = vector.broadcast %div3A_219 : vector<1x64xf32> to vector<83x64xf32>
      %sub3A_221 = arith.subf %reduce_sum3A_213, %sub3A_220 : vector<83x64xf32>
      %integer_pow3A_222 = arith.mulf %sub3A_221, %sub3A_221 : vector<83x64xf32>
      %reduce_sum3A_223 = arith.constant dense<0.000000e+00> : vector<64xf32>
      %reduce_sum3A_224 = vector.multi_reduction <add>, %integer_pow3A_222, %reduce_sum3A_223 [0] : vector<83x64xf32> to vector<64xf32>
      %broadcast_in_dim3A_225 = vector.shape_cast %reduce_sum3A_224 : vector<64xf32> to vector<1x64xf32>
      %div3A_226 = arith.constant 8.300000e+01 : f32
      %div3A_227 = vector.broadcast %div3A_226 : f32 to vector<1x64xf32>
      %div3A_228 = arith.divf %broadcast_in_dim3A_225, %div3A_227 : vector<1x64xf32>
      %max3A_229 = arith.constant 1.000000e-07 : f32
      %max3A_230 = vector.broadcast %max3A_229 : f32 to vector<1x64xf32>
      %max3A_231 = arith.maximumf %div3A_219, %max3A_230 : vector<1x64xf32>
      %div3A_232 = arith.divf %div3A_228, %max3A_231 : vector<1x64xf32>
      %mul3A_233 = arith.mulf %div3A_232, %get3A_32 : vector<1x64xf32>
      %reduce_sum3A_234 = vector.shape_cast %mul3A_233 : vector<1x64xf32> to vector<1x1x64xf32>
      %reduce_sum3A_235 = arith.constant dense<0.000000e+00> : vector<1xf32>
      %reduce_sum3A_236 = vector.multi_reduction <add>, %reduce_sum3A_234, %reduce_sum3A_235 [1, 2] : vector<1x1x64xf32> to vector<1xf32>
      %reduce_sum3A_237 = vector.shape_cast %reduce_sum3A_236 : vector<1xf32> to vector<1x1x1xf32>
      %reduce_sum3A_238 = vector.extract %reduce_sum3A_237[0, 0, 0] : f32 from vector<1x1x1xf32>
      %div3A_239 = arith.constant 5.000000e+01 : f32
      %div3A_240 = arith.divf %reduce_sum3A_238, %div3A_239 : f32
      %get3A_241 = arith.constant 0 : index
      %get3A_242 = arith.constant 5 : index
      %get3A_243 = memref.load %arg6[%get3A_241, %get3A_242] : memref<1x16xf32, #tpu.memory_space<smem>>
      %sub3A_244 = arith.subf %get3A_243, %div3A_240 : f32
      %mul3A_245 = arith.mulf %sub3A_244, %sub3A_244 : f32
      %add3A_246 = arith.addf %add3A_209, %mul3A_245 : f32
      %slice3A_247 = vector.extract_strided_slice %get3A_29 {offsets = [0, 0], sizes = [495, 64], strides = [1, 1]} : vector<512x64xf32> to vector<495x64xf32>
      %reshape3A_248 = vector.shape_cast %slice3A_247 : vector<495x64xf32> to vector<55x9x64xf32>
      %reduce_sum3A_249 = arith.constant dense<0.000000e+00> : vector<55x64xf32>
      %reduce_sum3A_250 = vector.multi_reduction <add>, %reshape3A_248, %reduce_sum3A_249 [1] : vector<55x9x64xf32> to vector<55x64xf32>
      %reduce_sum3A_251 = arith.constant dense<0.000000e+00> : vector<64xf32>
      %reduce_sum3A_252 = vector.multi_reduction <add>, %reduce_sum3A_250, %reduce_sum3A_251 [0] : vector<55x64xf32> to vector<64xf32>
      %broadcast_in_dim3A_253 = vector.shape_cast %reduce_sum3A_252 : vector<64xf32> to vector<1x64xf32>
      %div3A_254 = arith.constant 5.500000e+01 : f32
      %div3A_255 = vector.broadcast %div3A_254 : f32 to vector<1x64xf32>
      %div3A_256 = arith.divf %broadcast_in_dim3A_253, %div3A_255 : vector<1x64xf32>
      %sub3A_257 = vector.broadcast %div3A_256 : vector<1x64xf32> to vector<55x64xf32>
      %sub3A_258 = arith.subf %reduce_sum3A_250, %sub3A_257 : vector<55x64xf32>
      %integer_pow3A_259 = arith.mulf %sub3A_258, %sub3A_258 : vector<55x64xf32>
      %reduce_sum3A_260 = arith.constant dense<0.000000e+00> : vector<64xf32>
      %reduce_sum3A_261 = vector.multi_reduction <add>, %integer_pow3A_259, %reduce_sum3A_260 [0] : vector<55x64xf32> to vector<64xf32>
      %broadcast_in_dim3A_262 = vector.shape_cast %reduce_sum3A_261 : vector<64xf32> to vector<1x64xf32>
      %div3A_263 = arith.constant 5.500000e+01 : f32
      %div3A_264 = vector.broadcast %div3A_263 : f32 to vector<1x64xf32>
      %div3A_265 = arith.divf %broadcast_in_dim3A_262, %div3A_264 : vector<1x64xf32>
      %max3A_266 = arith.constant 1.000000e-07 : f32
      %max3A_267 = vector.broadcast %max3A_266 : f32 to vector<1x64xf32>
      %max3A_268 = arith.maximumf %div3A_256, %max3A_267 : vector<1x64xf32>
      %div3A_269 = arith.divf %div3A_265, %max3A_268 : vector<1x64xf32>
      %mul3A_270 = arith.mulf %div3A_269, %get3A_32 : vector<1x64xf32>
      %reduce_sum3A_271 = vector.shape_cast %mul3A_270 : vector<1x64xf32> to vector<1x1x64xf32>
      %reduce_sum3A_272 = arith.constant dense<0.000000e+00> : vector<1xf32>
      %reduce_sum3A_273 = vector.multi_reduction <add>, %reduce_sum3A_271, %reduce_sum3A_272 [1, 2] : vector<1x1x64xf32> to vector<1xf32>
      %reduce_sum3A_274 = vector.shape_cast %reduce_sum3A_273 : vector<1xf32> to vector<1x1x1xf32>
      %reduce_sum3A_275 = vector.extract %reduce_sum3A_274[0, 0, 0] : f32 from vector<1x1x1xf32>
      %div3A_276 = arith.constant 5.000000e+01 : f32
      %div3A_277 = arith.divf %reduce_sum3A_275, %div3A_276 : f32
      %get3A_278 = arith.constant 0 : index
      %get3A_279 = arith.constant 6 : index
      %get3A_280 = memref.load %arg6[%get3A_278, %get3A_279] : memref<1x16xf32, #tpu.memory_space<smem>>
      %sub3A_281 = arith.subf %get3A_280, %div3A_277 : f32
      %mul3A_282 = arith.mulf %sub3A_281, %sub3A_281 : f32
      %add3A_283 = arith.addf %add3A_246, %mul3A_282 : f32
      %slice3A_284 = vector.extract_strided_slice %get3A_29 {offsets = [0, 0], sizes = [494, 64], strides = [1, 1]} : vector<512x64xf32> to vector<494x64xf32>
      %reshape3A_285 = vector.shape_cast %slice3A_284 : vector<494x64xf32> to vector<38x13x64xf32>
      %reduce_sum3A_286 = arith.constant dense<0.000000e+00> : vector<38x64xf32>
      %reduce_sum3A_287 = vector.multi_reduction <add>, %reshape3A_285, %reduce_sum3A_286 [1] : vector<38x13x64xf32> to vector<38x64xf32>
      %reduce_sum3A_288 = arith.constant dense<0.000000e+00> : vector<64xf32>
      %reduce_sum3A_289 = vector.multi_reduction <add>, %reduce_sum3A_287, %reduce_sum3A_288 [0] : vector<38x64xf32> to vector<64xf32>
      %broadcast_in_dim3A_290 = vector.shape_cast %reduce_sum3A_289 : vector<64xf32> to vector<1x64xf32>
      %div3A_291 = arith.constant 3.800000e+01 : f32
      %div3A_292 = vector.broadcast %div3A_291 : f32 to vector<1x64xf32>
      %div3A_293 = arith.divf %broadcast_in_dim3A_290, %div3A_292 : vector<1x64xf32>
      %sub3A_294 = vector.broadcast %div3A_293 : vector<1x64xf32> to vector<38x64xf32>
      %sub3A_295 = arith.subf %reduce_sum3A_287, %sub3A_294 : vector<38x64xf32>
      %integer_pow3A_296 = arith.mulf %sub3A_295, %sub3A_295 : vector<38x64xf32>
      %reduce_sum3A_297 = arith.constant dense<0.000000e+00> : vector<64xf32>
      %reduce_sum3A_298 = vector.multi_reduction <add>, %integer_pow3A_296, %reduce_sum3A_297 [0] : vector<38x64xf32> to vector<64xf32>
      %broadcast_in_dim3A_299 = vector.shape_cast %reduce_sum3A_298 : vector<64xf32> to vector<1x64xf32>
      %div3A_300 = arith.constant 3.800000e+01 : f32
      %div3A_301 = vector.broadcast %div3A_300 : f32 to vector<1x64xf32>
      %div3A_302 = arith.divf %broadcast_in_dim3A_299, %div3A_301 : vector<1x64xf32>
      %max3A_303 = arith.constant 1.000000e-07 : f32
      %max3A_304 = vector.broadcast %max3A_303 : f32 to vector<1x64xf32>
      %max3A_305 = arith.maximumf %div3A_293, %max3A_304 : vector<1x64xf32>
      %div3A_306 = arith.divf %div3A_302, %max3A_305 : vector<1x64xf32>
      %mul3A_307 = arith.mulf %div3A_306, %get3A_32 : vector<1x64xf32>
      %reduce_sum3A_308 = vector.shape_cast %mul3A_307 : vector<1x64xf32> to vector<1x1x64xf32>
      %reduce_sum3A_309 = arith.constant dense<0.000000e+00> : vector<1xf32>
      %reduce_sum3A_310 = vector.multi_reduction <add>, %reduce_sum3A_308, %reduce_sum3A_309 [1, 2] : vector<1x1x64xf32> to vector<1xf32>
      %reduce_sum3A_311 = vector.shape_cast %reduce_sum3A_310 : vector<1xf32> to vector<1x1x1xf32>
      %reduce_sum3A_312 = vector.extract %reduce_sum3A_311[0, 0, 0] : f32 from vector<1x1x1xf32>
      %div3A_313 = arith.constant 5.000000e+01 : f32
      %div3A_314 = arith.divf %reduce_sum3A_312, %div3A_313 : f32
      %get3A_315 = arith.constant 0 : index
      %get3A_316 = arith.constant 7 : index
      %get3A_317 = memref.load %arg6[%get3A_315, %get3A_316] : memref<1x16xf32, #tpu.memory_space<smem>>
      %sub3A_318 = arith.subf %get3A_317, %div3A_314 : f32
      %mul3A_319 = arith.mulf %sub3A_318, %sub3A_318 : f32
      %add3A_320 = arith.addf %add3A_283, %mul3A_319 : f32
      %slice3A_321 = vector.extract_strided_slice %get3A_29 {offsets = [0, 0], sizes = [486, 64], strides = [1, 1]} : vector<512x64xf32> to vector<486x64xf32>
      %reshape3A_322 = vector.shape_cast %slice3A_321 : vector<486x64xf32> to vector<27x18x64xf32>
      %reduce_sum3A_323 = arith.constant dense<0.000000e+00> : vector<27x64xf32>
      %reduce_sum3A_324 = vector.multi_reduction <add>, %reshape3A_322, %reduce_sum3A_323 [1] : vector<27x18x64xf32> to vector<27x64xf32>
      %reduce_sum3A_325 = arith.constant dense<0.000000e+00> : vector<64xf32>
      %reduce_sum3A_326 = vector.multi_reduction <add>, %reduce_sum3A_324, %reduce_sum3A_325 [0] : vector<27x64xf32> to vector<64xf32>
      %broadcast_in_dim3A_327 = vector.shape_cast %reduce_sum3A_326 : vector<64xf32> to vector<1x64xf32>
      %div3A_328 = arith.constant 2.700000e+01 : f32
      %div3A_329 = vector.broadcast %div3A_328 : f32 to vector<1x64xf32>
      %div3A_330 = arith.divf %broadcast_in_dim3A_327, %div3A_329 : vector<1x64xf32>
      %sub3A_331 = vector.broadcast %div3A_330 : vector<1x64xf32> to vector<27x64xf32>
      %sub3A_332 = arith.subf %reduce_sum3A_324, %sub3A_331 : vector<27x64xf32>
      %integer_pow3A_333 = arith.mulf %sub3A_332, %sub3A_332 : vector<27x64xf32>
      %reduce_sum3A_334 = arith.constant dense<0.000000e+00> : vector<64xf32>
      %reduce_sum3A_335 = vector.multi_reduction <add>, %integer_pow3A_333, %reduce_sum3A_334 [0] : vector<27x64xf32> to vector<64xf32>
      %broadcast_in_dim3A_336 = vector.shape_cast %reduce_sum3A_335 : vector<64xf32> to vector<1x64xf32>
      %div3A_337 = arith.constant 2.700000e+01 : f32
      %div3A_338 = vector.broadcast %div3A_337 : f32 to vector<1x64xf32>
      %div3A_339 = arith.divf %broadcast_in_dim3A_336, %div3A_338 : vector<1x64xf32>
      %max3A_340 = arith.constant 1.000000e-07 : f32
      %max3A_341 = vector.broadcast %max3A_340 : f32 to vector<1x64xf32>
      %max3A_342 = arith.maximumf %div3A_330, %max3A_341 : vector<1x64xf32>
      %div3A_343 = arith.divf %div3A_339, %max3A_342 : vector<1x64xf32>
      %mul3A_344 = arith.mulf %div3A_343, %get3A_32 : vector<1x64xf32>
      %reduce_sum3A_345 = vector.shape_cast %mul3A_344 : vector<1x64xf32> to vector<1x1x64xf32>
      %reduce_sum3A_346 = arith.constant dense<0.000000e+00> : vector<1xf32>
      %reduce_sum3A_347 = vector.multi_reduction <add>, %reduce_sum3A_345, %reduce_sum3A_346 [1, 2] : vector<1x1x64xf32> to vector<1xf32>
      %reduce_sum3A_348 = vector.shape_cast %reduce_sum3A_347 : vector<1xf32> to vector<1x1x1xf32>
      %reduce_sum3A_349 = vector.extract %reduce_sum3A_348[0, 0, 0] : f32 from vector<1x1x1xf32>
      %div3A_350 = arith.constant 5.000000e+01 : f32
      %div3A_351 = arith.divf %reduce_sum3A_349, %div3A_350 : f32
      %get3A_352 = arith.constant 0 : index
      %get3A_353 = arith.constant 8 : index
      %get3A_354 = memref.load %arg6[%get3A_352, %get3A_353] : memref<1x16xf32, #tpu.memory_space<smem>>
      %sub3A_355 = arith.subf %get3A_354, %div3A_351 : f32
      %mul3A_356 = arith.mulf %sub3A_355, %sub3A_355 : f32
      %add3A_357 = arith.addf %add3A_320, %mul3A_356 : f32
      %slice3A_358 = vector.extract_strided_slice %get3A_29 {offsets = [0, 0], sizes = [494, 64], strides = [1, 1]} : vector<512x64xf32> to vector<494x64xf32>
      %reshape3A_359 = vector.shape_cast %slice3A_358 : vector<494x64xf32> to vector<19x26x64xf32>
      %reduce_sum3A_360 = arith.constant dense<0.000000e+00> : vector<19x64xf32>
      %reduce_sum3A_361 = vector.multi_reduction <add>, %reshape3A_359, %reduce_sum3A_360 [1] : vector<19x26x64xf32> to vector<19x64xf32>
      %reduce_sum3A_362 = arith.constant dense<0.000000e+00> : vector<64xf32>
      %reduce_sum3A_363 = vector.multi_reduction <add>, %reduce_sum3A_361, %reduce_sum3A_362 [0] : vector<19x64xf32> to vector<64xf32>
      %broadcast_in_dim3A_364 = vector.shape_cast %reduce_sum3A_363 : vector<64xf32> to vector<1x64xf32>
      %div3A_365 = arith.constant 1.900000e+01 : f32
      %div3A_366 = vector.broadcast %div3A_365 : f32 to vector<1x64xf32>
      %div3A_367 = arith.divf %broadcast_in_dim3A_364, %div3A_366 : vector<1x64xf32>
      %sub3A_368 = vector.broadcast %div3A_367 : vector<1x64xf32> to vector<19x64xf32>
      %sub3A_369 = arith.subf %reduce_sum3A_361, %sub3A_368 : vector<19x64xf32>
      %integer_pow3A_370 = arith.mulf %sub3A_369, %sub3A_369 : vector<19x64xf32>
      %reduce_sum3A_371 = arith.constant dense<0.000000e+00> : vector<64xf32>
      %reduce_sum3A_372 = vector.multi_reduction <add>, %integer_pow3A_370, %reduce_sum3A_371 [0] : vector<19x64xf32> to vector<64xf32>
      %broadcast_in_dim3A_373 = vector.shape_cast %reduce_sum3A_372 : vector<64xf32> to vector<1x64xf32>
      %div3A_374 = arith.constant 1.900000e+01 : f32
      %div3A_375 = vector.broadcast %div3A_374 : f32 to vector<1x64xf32>
      %div3A_376 = arith.divf %broadcast_in_dim3A_373, %div3A_375 : vector<1x64xf32>
      %max3A_377 = arith.constant 1.000000e-07 : f32
      %max3A_378 = vector.broadcast %max3A_377 : f32 to vector<1x64xf32>
      %max3A_379 = arith.maximumf %div3A_367, %max3A_378 : vector<1x64xf32>
      %div3A_380 = arith.divf %div3A_376, %max3A_379 : vector<1x64xf32>
      %mul3A_381 = arith.mulf %div3A_380, %get3A_32 : vector<1x64xf32>
      %reduce_sum3A_382 = vector.shape_cast %mul3A_381 : vector<1x64xf32> to vector<1x1x64xf32>
      %reduce_sum3A_383 = arith.constant dense<0.000000e+00> : vector<1xf32>
      %reduce_sum3A_384 = vector.multi_reduction <add>, %reduce_sum3A_382, %reduce_sum3A_383 [1, 2] : vector<1x1x64xf32> to vector<1xf32>
      %reduce_sum3A_385 = vector.shape_cast %reduce_sum3A_384 : vector<1xf32> to vector<1x1x1xf32>
      %reduce_sum3A_386 = vector.extract %reduce_sum3A_385[0, 0, 0] : f32 from vector<1x1x1xf32>
      %div3A_387 = arith.constant 5.000000e+01 : f32
      %div3A_388 = arith.divf %reduce_sum3A_386, %div3A_387 : f32
      %get3A_389 = arith.constant 0 : index
      %get3A_390 = arith.constant 9 : index
      %get3A_391 = memref.load %arg6[%get3A_389, %get3A_390] : memref<1x16xf32, #tpu.memory_space<smem>>
      %sub3A_392 = arith.subf %get3A_391, %div3A_388 : f32
      %mul3A_393 = arith.mulf %sub3A_392, %sub3A_392 : f32
      %add3A_394 = arith.addf %add3A_357, %mul3A_393 : f32
      %slice3A_395 = vector.extract_strided_slice %get3A_29 {offsets = [0, 0], sizes = [494, 64], strides = [1, 1]} : vector<512x64xf32> to vector<494x64xf32>
      %reshape3A_396 = vector.shape_cast %slice3A_395 : vector<494x64xf32> to vector<13x38x64xf32>
      %reduce_sum3A_397 = arith.constant dense<0.000000e+00> : vector<13x64xf32>
      %reduce_sum3A_398 = vector.multi_reduction <add>, %reshape3A_396, %reduce_sum3A_397 [1] : vector<13x38x64xf32> to vector<13x64xf32>
      %reduce_sum3A_399 = arith.constant dense<0.000000e+00> : vector<64xf32>
      %reduce_sum3A_400 = vector.multi_reduction <add>, %reduce_sum3A_398, %reduce_sum3A_399 [0] : vector<13x64xf32> to vector<64xf32>
      %broadcast_in_dim3A_401 = vector.shape_cast %reduce_sum3A_400 : vector<64xf32> to vector<1x64xf32>
      %div3A_402 = arith.constant 1.300000e+01 : f32
      %div3A_403 = vector.broadcast %div3A_402 : f32 to vector<1x64xf32>
      %div3A_404 = arith.divf %broadcast_in_dim3A_401, %div3A_403 : vector<1x64xf32>
      %sub3A_405 = vector.broadcast %div3A_404 : vector<1x64xf32> to vector<13x64xf32>
      %sub3A_406 = arith.subf %reduce_sum3A_398, %sub3A_405 : vector<13x64xf32>
      %integer_pow3A_407 = arith.mulf %sub3A_406, %sub3A_406 : vector<13x64xf32>
      %reduce_sum3A_408 = arith.constant dense<0.000000e+00> : vector<64xf32>
      %reduce_sum3A_409 = vector.multi_reduction <add>, %integer_pow3A_407, %reduce_sum3A_408 [0] : vector<13x64xf32> to vector<64xf32>
      %broadcast_in_dim3A_410 = vector.shape_cast %reduce_sum3A_409 : vector<64xf32> to vector<1x64xf32>
      %div3A_411 = arith.constant 1.300000e+01 : f32
      %div3A_412 = vector.broadcast %div3A_411 : f32 to vector<1x64xf32>
      %div3A_413 = arith.divf %broadcast_in_dim3A_410, %div3A_412 : vector<1x64xf32>
      %max3A_414 = arith.constant 1.000000e-07 : f32
      %max3A_415 = vector.broadcast %max3A_414 : f32 to vector<1x64xf32>
      %max3A_416 = arith.maximumf %div3A_404, %max3A_415 : vector<1x64xf32>
      %div3A_417 = arith.divf %div3A_413, %max3A_416 : vector<1x64xf32>
      %mul3A_418 = arith.mulf %div3A_417, %get3A_32 : vector<1x64xf32>
      %reduce_sum3A_419 = vector.shape_cast %mul3A_418 : vector<1x64xf32> to vector<1x1x64xf32>
      %reduce_sum3A_420 = arith.constant dense<0.000000e+00> : vector<1xf32>
      %reduce_sum3A_421 = vector.multi_reduction <add>, %reduce_sum3A_419, %reduce_sum3A_420 [1, 2] : vector<1x1x64xf32> to vector<1xf32>
      %reduce_sum3A_422 = vector.shape_cast %reduce_sum3A_421 : vector<1xf32> to vector<1x1x1xf32>
      %reduce_sum3A_423 = vector.extract %reduce_sum3A_422[0, 0, 0] : f32 from vector<1x1x1xf32>
      %div3A_424 = arith.constant 5.000000e+01 : f32
      %div3A_425 = arith.divf %reduce_sum3A_423, %div3A_424 : f32
      %get3A_426 = arith.constant 0 : index
      %get3A_427 = arith.constant 10 : index
      %get3A_428 = memref.load %arg6[%get3A_426, %get3A_427] : memref<1x16xf32, #tpu.memory_space<smem>>
      %sub3A_429 = arith.subf %get3A_428, %div3A_425 : f32
      %mul3A_430 = arith.mulf %sub3A_429, %sub3A_429 : f32
      %add3A_431 = arith.addf %add3A_394, %mul3A_430 : f32
      %slice3A_432 = vector.extract_strided_slice %get3A_29 {offsets = [0, 0], sizes = [495, 64], strides = [1, 1]} : vector<512x64xf32> to vector<495x64xf32>
      %reshape3A_433 = vector.shape_cast %slice3A_432 : vector<495x64xf32> to vector<9x55x64xf32>
      %reduce_sum3A_434 = arith.constant dense<0.000000e+00> : vector<9x64xf32>
      %reduce_sum3A_435 = vector.multi_reduction <add>, %reshape3A_433, %reduce_sum3A_434 [1] : vector<9x55x64xf32> to vector<9x64xf32>
      %reduce_sum3A_436 = arith.constant dense<0.000000e+00> : vector<64xf32>
      %reduce_sum3A_437 = vector.multi_reduction <add>, %reduce_sum3A_435, %reduce_sum3A_436 [0] : vector<9x64xf32> to vector<64xf32>
      %broadcast_in_dim3A_438 = vector.shape_cast %reduce_sum3A_437 : vector<64xf32> to vector<1x64xf32>
      %div3A_439 = arith.constant 9.000000e+00 : f32
      %div3A_440 = vector.broadcast %div3A_439 : f32 to vector<1x64xf32>
      %div3A_441 = arith.divf %broadcast_in_dim3A_438, %div3A_440 : vector<1x64xf32>
      %sub3A_442 = vector.broadcast %div3A_441 : vector<1x64xf32> to vector<9x64xf32>
      %sub3A_443 = arith.subf %reduce_sum3A_435, %sub3A_442 : vector<9x64xf32>
      %integer_pow3A_444 = arith.mulf %sub3A_443, %sub3A_443 : vector<9x64xf32>
      %reduce_sum3A_445 = arith.constant dense<0.000000e+00> : vector<64xf32>
      %reduce_sum3A_446 = vector.multi_reduction <add>, %integer_pow3A_444, %reduce_sum3A_445 [0] : vector<9x64xf32> to vector<64xf32>
      %broadcast_in_dim3A_447 = vector.shape_cast %reduce_sum3A_446 : vector<64xf32> to vector<1x64xf32>
      %div3A_448 = arith.constant 9.000000e+00 : f32
      %div3A_449 = vector.broadcast %div3A_448 : f32 to vector<1x64xf32>
      %div3A_450 = arith.divf %broadcast_in_dim3A_447, %div3A_449 : vector<1x64xf32>
      %max3A_451 = arith.constant 1.000000e-07 : f32
      %max3A_452 = vector.broadcast %max3A_451 : f32 to vector<1x64xf32>
      %max3A_453 = arith.maximumf %div3A_441, %max3A_452 : vector<1x64xf32>
      %div3A_454 = arith.divf %div3A_450, %max3A_453 : vector<1x64xf32>
      %mul3A_455 = arith.mulf %div3A_454, %get3A_32 : vector<1x64xf32>
      %reduce_sum3A_456 = vector.shape_cast %mul3A_455 : vector<1x64xf32> to vector<1x1x64xf32>
      %reduce_sum3A_457 = arith.constant dense<0.000000e+00> : vector<1xf32>
      %reduce_sum3A_458 = vector.multi_reduction <add>, %reduce_sum3A_456, %reduce_sum3A_457 [1, 2] : vector<1x1x64xf32> to vector<1xf32>
      %reduce_sum3A_459 = vector.shape_cast %reduce_sum3A_458 : vector<1xf32> to vector<1x1x1xf32>
      %reduce_sum3A_460 = vector.extract %reduce_sum3A_459[0, 0, 0] : f32 from vector<1x1x1xf32>
      %div3A_461 = arith.constant 5.000000e+01 : f32
      %div3A_462 = arith.divf %reduce_sum3A_460, %div3A_461 : f32
      %get3A_463 = arith.constant 0 : index
      %get3A_464 = arith.constant 11 : index
      %get3A_465 = memref.load %arg6[%get3A_463, %get3A_464] : memref<1x16xf32, #tpu.memory_space<smem>>
      %sub3A_466 = arith.subf %get3A_465, %div3A_462 : f32
      %mul3A_467 = arith.mulf %sub3A_466, %sub3A_466 : f32
      %add3A_468 = arith.addf %add3A_431, %mul3A_467 : f32
      %slice3A_469 = vector.extract_strided_slice %get3A_29 {offsets = [0, 0], sizes = [468, 64], strides = [1, 1]} : vector<512x64xf32> to vector<468x64xf32>
      %reshape3A_470 = vector.shape_cast %slice3A_469 : vector<468x64xf32> to vector<6x78x64xf32>
      %reduce_sum3A_471 = arith.constant dense<0.000000e+00> : vector<6x64xf32>
      %reduce_sum3A_472 = vector.multi_reduction <add>, %reshape3A_470, %reduce_sum3A_471 [1] : vector<6x78x64xf32> to vector<6x64xf32>
      %reduce_sum3A_473 = arith.constant dense<0.000000e+00> : vector<64xf32>
      %reduce_sum3A_474 = vector.multi_reduction <add>, %reduce_sum3A_472, %reduce_sum3A_473 [0] : vector<6x64xf32> to vector<64xf32>
      %broadcast_in_dim3A_475 = vector.shape_cast %reduce_sum3A_474 : vector<64xf32> to vector<1x64xf32>
      %div3A_476 = arith.constant 6.000000e+00 : f32
      %div3A_477 = vector.broadcast %div3A_476 : f32 to vector<1x64xf32>
      %div3A_478 = arith.divf %broadcast_in_dim3A_475, %div3A_477 : vector<1x64xf32>
      %sub3A_479 = vector.broadcast %div3A_478 : vector<1x64xf32> to vector<6x64xf32>
      %sub3A_480 = arith.subf %reduce_sum3A_472, %sub3A_479 : vector<6x64xf32>
      %integer_pow3A_481 = arith.mulf %sub3A_480, %sub3A_480 : vector<6x64xf32>
      %reduce_sum3A_482 = arith.constant dense<0.000000e+00> : vector<64xf32>
      %reduce_sum3A_483 = vector.multi_reduction <add>, %integer_pow3A_481, %reduce_sum3A_482 [0] : vector<6x64xf32> to vector<64xf32>
      %broadcast_in_dim3A_484 = vector.shape_cast %reduce_sum3A_483 : vector<64xf32> to vector<1x64xf32>
      %div3A_485 = arith.constant 6.000000e+00 : f32
      %div3A_486 = vector.broadcast %div3A_485 : f32 to vector<1x64xf32>
      %div3A_487 = arith.divf %broadcast_in_dim3A_484, %div3A_486 : vector<1x64xf32>
      %max3A_488 = arith.constant 1.000000e-07 : f32
      %max3A_489 = vector.broadcast %max3A_488 : f32 to vector<1x64xf32>
      %max3A_490 = arith.maximumf %div3A_478, %max3A_489 : vector<1x64xf32>
      %div3A_491 = arith.divf %div3A_487, %max3A_490 : vector<1x64xf32>
      %mul3A_492 = arith.mulf %div3A_491, %get3A_32 : vector<1x64xf32>
      %reduce_sum3A_493 = vector.shape_cast %mul3A_492 : vector<1x64xf32> to vector<1x1x64xf32>
      %reduce_sum3A_494 = arith.constant dense<0.000000e+00> : vector<1xf32>
      %reduce_sum3A_495 = vector.multi_reduction <add>, %reduce_sum3A_493, %reduce_sum3A_494 [1, 2] : vector<1x1x64xf32> to vector<1xf32>
      %reduce_sum3A_496 = vector.shape_cast %reduce_sum3A_495 : vector<1xf32> to vector<1x1x1xf32>
      %reduce_sum3A_497 = vector.extract %reduce_sum3A_496[0, 0, 0] : f32 from vector<1x1x1xf32>
      %div3A_498 = arith.constant 5.000000e+01 : f32
      %div3A_499 = arith.divf %reduce_sum3A_497, %div3A_498 : f32
      %get3A_500 = arith.constant 0 : index
      %get3A_501 = arith.constant 12 : index
      %get3A_502 = memref.load %arg6[%get3A_500, %get3A_501] : memref<1x16xf32, #tpu.memory_space<smem>>
      %sub3A_503 = arith.subf %get3A_502, %div3A_499 : f32
      %mul3A_504 = arith.mulf %sub3A_503, %sub3A_503 : f32
      %add3A_505 = arith.addf %add3A_468, %mul3A_504 : f32
      %slice3A_506 = vector.extract_strided_slice %get3A_29 {offsets = [0, 0], sizes = [452, 64], strides = [1, 1]} : vector<512x64xf32> to vector<452x64xf32>
      %reshape3A_507 = vector.shape_cast %slice3A_506 : vector<452x64xf32> to vector<4x113x64xf32>
      %reduce_sum3A_508 = arith.constant dense<0.000000e+00> : vector<4x64xf32>
      %reduce_sum3A_509 = vector.multi_reduction <add>, %reshape3A_507, %reduce_sum3A_508 [1] : vector<4x113x64xf32> to vector<4x64xf32>
      %reduce_sum3A_510 = arith.constant dense<0.000000e+00> : vector<64xf32>
      %reduce_sum3A_511 = vector.multi_reduction <add>, %reduce_sum3A_509, %reduce_sum3A_510 [0] : vector<4x64xf32> to vector<64xf32>
      %broadcast_in_dim3A_512 = vector.shape_cast %reduce_sum3A_511 : vector<64xf32> to vector<1x64xf32>
      %div3A_513 = arith.constant 4.000000e+00 : f32
      %div3A_514 = vector.broadcast %div3A_513 : f32 to vector<1x64xf32>
      %div3A_515 = arith.divf %broadcast_in_dim3A_512, %div3A_514 : vector<1x64xf32>
      %sub3A_516 = vector.broadcast %div3A_515 : vector<1x64xf32> to vector<4x64xf32>
      %sub3A_517 = arith.subf %reduce_sum3A_509, %sub3A_516 : vector<4x64xf32>
      %integer_pow3A_518 = arith.mulf %sub3A_517, %sub3A_517 : vector<4x64xf32>
      %reduce_sum3A_519 = arith.constant dense<0.000000e+00> : vector<64xf32>
      %reduce_sum3A_520 = vector.multi_reduction <add>, %integer_pow3A_518, %reduce_sum3A_519 [0] : vector<4x64xf32> to vector<64xf32>
      %broadcast_in_dim3A_521 = vector.shape_cast %reduce_sum3A_520 : vector<64xf32> to vector<1x64xf32>
      %div3A_522 = arith.constant 4.000000e+00 : f32
      %div3A_523 = vector.broadcast %div3A_522 : f32 to vector<1x64xf32>
      %div3A_524 = arith.divf %broadcast_in_dim3A_521, %div3A_523 : vector<1x64xf32>
      %max3A_525 = arith.constant 1.000000e-07 : f32
      %max3A_526 = vector.broadcast %max3A_525 : f32 to vector<1x64xf32>
      %max3A_527 = arith.maximumf %div3A_515, %max3A_526 : vector<1x64xf32>
      %div3A_528 = arith.divf %div3A_524, %max3A_527 : vector<1x64xf32>
      %mul3A_529 = arith.mulf %div3A_528, %get3A_32 : vector<1x64xf32>
      %reduce_sum3A_530 = vector.shape_cast %mul3A_529 : vector<1x64xf32> to vector<1x1x64xf32>
      %reduce_sum3A_531 = arith.constant dense<0.000000e+00> : vector<1xf32>
      %reduce_sum3A_532 = vector.multi_reduction <add>, %reduce_sum3A_530, %reduce_sum3A_531 [1, 2] : vector<1x1x64xf32> to vector<1xf32>
      %reduce_sum3A_533 = vector.shape_cast %reduce_sum3A_532 : vector<1xf32> to vector<1x1x1xf32>
      %reduce_sum3A_534 = vector.extract %reduce_sum3A_533[0, 0, 0] : f32 from vector<1x1x1xf32>
      %div3A_535 = arith.constant 5.000000e+01 : f32
      %div3A_536 = arith.divf %reduce_sum3A_534, %div3A_535 : f32
      %get3A_537 = arith.constant 0 : index
      %get3A_538 = arith.constant 13 : index
      %get3A_539 = memref.load %arg6[%get3A_537, %get3A_538] : memref<1x16xf32, #tpu.memory_space<smem>>
      %sub3A_540 = arith.subf %get3A_539, %div3A_536 : f32
      %mul3A_541 = arith.mulf %sub3A_540, %sub3A_540 : f32
      %add3A_542 = arith.addf %add3A_505, %mul3A_541 : f32
      %slice3A_543 = vector.extract_strided_slice %get3A_29 {offsets = [0, 0], sizes = [486, 64], strides = [1, 1]} : vector<512x64xf32> to vector<486x64xf32>
      %reshape3A_544 = vector.shape_cast %slice3A_543 : vector<486x64xf32> to vector<3x162x64xf32>
      %reduce_sum3A_545 = arith.constant dense<0.000000e+00> : vector<3x64xf32>
      %reduce_sum3A_546 = vector.multi_reduction <add>, %reshape3A_544, %reduce_sum3A_545 [1] : vector<3x162x64xf32> to vector<3x64xf32>
      %reduce_sum3A_547 = arith.constant dense<0.000000e+00> : vector<64xf32>
      %reduce_sum3A_548 = vector.multi_reduction <add>, %reduce_sum3A_546, %reduce_sum3A_547 [0] : vector<3x64xf32> to vector<64xf32>
      %broadcast_in_dim3A_549 = vector.shape_cast %reduce_sum3A_548 : vector<64xf32> to vector<1x64xf32>
      %div3A_550 = arith.constant 3.000000e+00 : f32
      %div3A_551 = vector.broadcast %div3A_550 : f32 to vector<1x64xf32>
      %div3A_552 = arith.divf %broadcast_in_dim3A_549, %div3A_551 : vector<1x64xf32>
      %sub3A_553 = vector.broadcast %div3A_552 : vector<1x64xf32> to vector<3x64xf32>
      %sub3A_554 = arith.subf %reduce_sum3A_546, %sub3A_553 : vector<3x64xf32>
      %integer_pow3A_555 = arith.mulf %sub3A_554, %sub3A_554 : vector<3x64xf32>
      %reduce_sum3A_556 = arith.constant dense<0.000000e+00> : vector<64xf32>
      %reduce_sum3A_557 = vector.multi_reduction <add>, %integer_pow3A_555, %reduce_sum3A_556 [0] : vector<3x64xf32> to vector<64xf32>
      %broadcast_in_dim3A_558 = vector.shape_cast %reduce_sum3A_557 : vector<64xf32> to vector<1x64xf32>
      %div3A_559 = arith.constant 3.000000e+00 : f32
      %div3A_560 = vector.broadcast %div3A_559 : f32 to vector<1x64xf32>
      %div3A_561 = arith.divf %broadcast_in_dim3A_558, %div3A_560 : vector<1x64xf32>
      %max3A_562 = arith.constant 1.000000e-07 : f32
      %max3A_563 = vector.broadcast %max3A_562 : f32 to vector<1x64xf32>
      %max3A_564 = arith.maximumf %div3A_552, %max3A_563 : vector<1x64xf32>
      %div3A_565 = arith.divf %div3A_561, %max3A_564 : vector<1x64xf32>
      %mul3A_566 = arith.mulf %div3A_565, %get3A_32 : vector<1x64xf32>
      %reduce_sum3A_567 = vector.shape_cast %mul3A_566 : vector<1x64xf32> to vector<1x1x64xf32>
      %reduce_sum3A_568 = arith.constant dense<0.000000e+00> : vector<1xf32>
      %reduce_sum3A_569 = vector.multi_reduction <add>, %reduce_sum3A_567, %reduce_sum3A_568 [1, 2] : vector<1x1x64xf32> to vector<1xf32>
      %reduce_sum3A_570 = vector.shape_cast %reduce_sum3A_569 : vector<1xf32> to vector<1x1x1xf32>
      %reduce_sum3A_571 = vector.extract %reduce_sum3A_570[0, 0, 0] : f32 from vector<1x1x1xf32>
      %div3A_572 = arith.constant 5.000000e+01 : f32
      %div3A_573 = arith.divf %reduce_sum3A_571, %div3A_572 : f32
      %get3A_574 = arith.constant 0 : index
      %get3A_575 = arith.constant 14 : index
      %get3A_576 = memref.load %arg6[%get3A_574, %get3A_575] : memref<1x16xf32, #tpu.memory_space<smem>>
      %sub3A_577 = arith.subf %get3A_576, %div3A_573 : f32
      %mul3A_578 = arith.mulf %sub3A_577, %sub3A_577 : f32
      %add3A_579 = arith.addf %add3A_542, %mul3A_578 : f32
      %slice3A_580 = vector.extract_strided_slice %get3A_29 {offsets = [0, 0], sizes = [468, 64], strides = [1, 1]} : vector<512x64xf32> to vector<468x64xf32>
      %reshape3A_581 = vector.shape_cast %slice3A_580 : vector<468x64xf32> to vector<2x234x64xf32>
      %reduce_sum3A_582 = arith.constant dense<0.000000e+00> : vector<2x64xf32>
      %reduce_sum3A_583 = vector.multi_reduction <add>, %reshape3A_581, %reduce_sum3A_582 [1] : vector<2x234x64xf32> to vector<2x64xf32>
      %reduce_sum3A_584 = arith.constant dense<0.000000e+00> : vector<64xf32>
      %reduce_sum3A_585 = vector.multi_reduction <add>, %reduce_sum3A_583, %reduce_sum3A_584 [0] : vector<2x64xf32> to vector<64xf32>
      %broadcast_in_dim3A_586 = vector.shape_cast %reduce_sum3A_585 : vector<64xf32> to vector<1x64xf32>
      %div3A_587 = arith.constant 2.000000e+00 : f32
      %div3A_588 = vector.broadcast %div3A_587 : f32 to vector<1x64xf32>
      %div3A_589 = arith.divf %broadcast_in_dim3A_586, %div3A_588 : vector<1x64xf32>
      %sub3A_590 = vector.broadcast %div3A_589 : vector<1x64xf32> to vector<2x64xf32>
      %sub3A_591 = arith.subf %reduce_sum3A_583, %sub3A_590 : vector<2x64xf32>
      %integer_pow3A_592 = arith.mulf %sub3A_591, %sub3A_591 : vector<2x64xf32>
      %reduce_sum3A_593 = arith.constant dense<0.000000e+00> : vector<64xf32>
      %reduce_sum3A_594 = vector.multi_reduction <add>, %integer_pow3A_592, %reduce_sum3A_593 [0] : vector<2x64xf32> to vector<64xf32>
      %broadcast_in_dim3A_595 = vector.shape_cast %reduce_sum3A_594 : vector<64xf32> to vector<1x64xf32>
      %div3A_596 = arith.constant 2.000000e+00 : f32
      %div3A_597 = vector.broadcast %div3A_596 : f32 to vector<1x64xf32>
      %div3A_598 = arith.divf %broadcast_in_dim3A_595, %div3A_597 : vector<1x64xf32>
      %max3A_599 = arith.constant 1.000000e-07 : f32
      %max3A_600 = vector.broadcast %max3A_599 : f32 to vector<1x64xf32>
      %max3A_601 = arith.maximumf %div3A_589, %max3A_600 : vector<1x64xf32>
      %div3A_602 = arith.divf %div3A_598, %max3A_601 : vector<1x64xf32>
      %mul3A_603 = arith.mulf %div3A_602, %get3A_32 : vector<1x64xf32>
      %reduce_sum3A_604 = vector.shape_cast %mul3A_603 : vector<1x64xf32> to vector<1x1x64xf32>
      %reduce_sum3A_605 = arith.constant dense<0.000000e+00> : vector<1xf32>
      %reduce_sum3A_606 = vector.multi_reduction <add>, %reduce_sum3A_604, %reduce_sum3A_605 [1, 2] : vector<1x1x64xf32> to vector<1xf32>
      %reduce_sum3A_607 = vector.shape_cast %reduce_sum3A_606 : vector<1xf32> to vector<1x1x1xf32>
      %reduce_sum3A_608 = vector.extract %reduce_sum3A_607[0, 0, 0] : f32 from vector<1x1x1xf32>
      %div3A_609 = arith.constant 5.000000e+01 : f32
      %div3A_610 = arith.divf %reduce_sum3A_608, %div3A_609 : f32
      %get3A_611 = arith.constant 0 : index
      %get3A_612 = arith.constant 15 : index
      %get3A_613 = memref.load %arg6[%get3A_611, %get3A_612] : memref<1x16xf32, #tpu.memory_space<smem>>
      %sub3A_614 = arith.subf %get3A_613, %div3A_610 : f32
      %mul3A_615 = arith.mulf %sub3A_614, %sub3A_614 : f32
      %add3A_616 = arith.addf %add3A_579, %mul3A_615 : f32
      %mul3A_617 = arith.constant 1.000000e+01 : f32
      %mul3A_618 = arith.mulf %mul3A_617, %add3A_616 : f32
      %div3A_619 = arith.constant 1.600000e+01 : f32
      %div3A_620 = arith.divf %mul3A_618, %div3A_619 : f32
      %swap3A = arith.constant 0 : index
      %swap3A_621 = arith.constant 0 : index
      %swap3A_622 = memref.load %arg7[%swap3A, %swap3A_621] : memref<1x1xf32, #tpu.memory_space<smem>>
      memref.store %div3A_620, %arg7[%swap3A, %swap3A_621] : memref<1x1xf32, #tpu.memory_space<smem>>
    } else {
    }
    return
  }
  func.func @transform_0(%arg0: i32, %arg1: i32) -> (i32, i32, i32) {
    %ge3A = arith.constant 3 : i32
    %ge3A_0 = arith.cmpi sge, %arg1, %ge3A : i32
    %convert_element_type3A = arith.extui %ge3A_0 : i1 to i32
    %add3A = arith.addi %arg1, %convert_element_type3A : i32
    %ge3A_1 = arith.constant 4 : i32
    %ge3A_2 = arith.cmpi sge, %arg1, %ge3A_1 : i32
    %convert_element_type3A_3 = arith.extui %ge3A_2 : i1 to i32
    %add3A_4 = arith.addi %add3A, %convert_element_type3A_3 : i32
    %c0_i32 = arith.constant 0 : i32
    %c0_i32_5 = arith.constant 0 : i32
    return %add3A_4, %arg0, %c0_i32 : i32, i32, i32
  }
  func.func @transform_1(%arg0: i32, %arg1: i32) -> (i32, i32) {
    %c0_i32 = arith.constant 0 : i32
    %c0_i32_0 = arith.constant 0 : i32
    %c0_i32_1 = arith.constant 0 : i32
    return %c0_i32, %c0_i32_0 : i32, i32
  }
  func.func @transform_2(%arg0: i32, %arg1: i32) -> (i32, i32, i32) {
    %c0_i32 = arith.constant 0 : i32
    %c0_i32_0 = arith.constant 0 : i32
    %c0_i32_1 = arith.constant 0 : i32
    return %arg1, %c0_i32, %c0_i32_0 : i32, i32, i32
  }
  func.func @transform_3(%arg0: i32, %arg1: i32) -> (i32, i32) {
    %c0_i32 = arith.constant 0 : i32
    %c0_i32_0 = arith.constant 0 : i32
    %c0_i32_1 = arith.constant 0 : i32
    return %c0_i32, %c0_i32_0 : i32, i32
  }
  func.func @transform_4(%arg0: i32, %arg1: i32) -> (i32, i32) {
    %c0_i32 = arith.constant 0 : i32
    %c0_i32_0 = arith.constant 0 : i32
    %c0_i32_1 = arith.constant 0 : i32
    return %c0_i32, %c0_i32_0 : i32, i32
  }
  func.func @transform_5(%arg0: i32, %arg1: i32) -> (i32, i32) {
    %c0_i32 = arith.constant 0 : i32
    %c0_i32_0 = arith.constant 0 : i32
    %c0_i32_1 = arith.constant 0 : i32
    return %c0_i32, %c0_i32_0 : i32, i32
  }
}

</mosaic_0001>

<sc_bundles>
// kernel: kernel.4.cloned.1.call-start
scs
__scs_entry_jumppad:
0x0: {  	(pc) =	sbr.rel $0x88, $3  }
0x1: {  	(tag) =	ssettag $0x0;
	lr =	simm.s32 $0x1  }
0x2: {  	[smem:$0x3F9E] =	sst lr;
	_ =	strace $0xD0000000  }
0x3: {  	_ = 	snop  }
0x4: {  	_ = 	snop  }
0x5: {  	_ = 	snop  }
0x6: {  	_ = 	snop  }
0x7: {  	_ = 	snop  }
__scs_overlays_trampoline_lowered:
0x8: {  	[smem:$0x3FAD] =	sst s0  }
0x9: {  	[smem:$0x3FAE] =	sst s1  }
0xa: {  	[smem:$0x3FAF] =	sst s2  }
0xb: {  	[smem:$0x3FB0] =	sst s3  }
0xc: {  	[smem:$0x3FB1] =	sst s4  }
0xd: {  	[smem:$0x3FB2] =	sst s5  }
0xe: {  	[smem:$0x3FB3] =	sst s6  }
0xf: {  	[smem:$0x3FB4] =	sst s7  }
0x10: {  	[smem:$0x3FB5] =	sst s8  }
0x11: {  	[smem:$0x3FB6] =	sst s9;
	s0 =	simm.s32 @!p0 $0x0  }
0x12: {  	s1 =	sld [smem:$0x3F9C];
	s0 =	simm.s32 @p0 $0x1  }
0x13: {  	[smem:$0x3FB7] =	sst s0;
	s0 =	simm.s32 @!p1 $0x0  }
0x14: {  	s2 =	sld [smem:$0x3F9B];
	s0 =	simm.s32 @p1 $0x1  }
0x15: {  	[smem:$0x3FB8] =	sst s0;
	s0 =	simm.s32 @!p2 $0x0  }
0x16: {  	s3 =	sld [smem:$0x3FDB];
	s0 =	simm.s32 @p2 $0x1  }
0x17: {  	s4 =	simm.s32 $0x1BF5;
	[smem:$0x3FBA] =	sst s0  }
0x18: {  	s0 =	sld [smem:$0x3F9D];
	_ =	swait.ge [sflag:s4], $0x0  }
0x19: {  	s7 =	sld [smem:$0x3F9E]  }
0x1a: {  	s8 =	sadd.s32 $0xFFFFE003, lr  }
0x1b: {  	s9 =	sadd.s32 $0xFFFFFEF7, lr;
	s5 =	simm.s32 $0xFFFFFFFF;
	p2 =	slt.u32 s8, $0xFFFFF086  }
0x1c: {  	p1 =	slt.u32 s9, $0xF7A;
	s5 =	simm.s32 @!p2 $0x0  }
0x1d: {  	s5 =	simm.s32 @p1 $0x1;
	p0 =	seq.s32 s7, s2  }
0x1e: {  	s7 =	smul.u32 @!p0 $0xF7A, s2;
	p2 =	seq.s32 @!p0 s5, $0x0  }
0x1f: {  	s9 =	smul.u32 $0xF7A, s1;
	s8 =	simm.s32 @!p0 $0x1BF5;
	p2 =	por !p2, p0  }
0x20: {  	[sflag:s8] =	ssyncset.s32 @!p0 $0xFFFFF086;
	s6 =	sadd.s32 @!p0 s3, s7;
	s7 =	simm.s32 @!p0 $0x108  }
0x21: {  	s3 =	sadd.s32 s3, s9;
	s6 =	sadd.s32 @!p0 $0x88, s6;
	s7 =	simm.s32 @p2 $0x1082  }
0x22: {  	[simem:s7], [sflag:s8] =	dma.local @!p0 [hbm:s6], $0xF7A  }
0x23: {  	s9 =	sor.u32 $0xD0000000, s2;
	s6 =	simm.s32 $0x108;
	_ =	swait.ge @!p0 [sflag:s8], $0x0  }
0x24: {  	s3 =	sadd.s32 $0x88, s3;
	s6 =	simm.s32 @!p1 $0x1082;
	[sflag:s4] =	ssyncset.s32 $0xFFFFF086  }
0x25: {  	[simem:s6], [sflag:s4] =	dma.local [hbm:s3], $0xF7A  }
0x26: {  	[smem:$0x3F9E] =	sst s1;
	(tag) =	ssettag s2;
	_ =	strace s9  }
0x27: {  	s1 =	sld [smem:$0x3FAE]  }
0x28: {  	s2 =	sld [smem:$0x3FAF]  }
0x29: {  	s4 =	sld [smem:$0x3FB1]  }
0x2a: {  	p0 =	seq.s32 s5, $0x0;
	s5 =	sld [smem:$0x3FB2]  }
0x2b: {  	s6 =	sld [smem:$0x3FB3]  }
0x2c: {  	s7 =	sld [smem:$0x3FB4]  }
0x2d: {  	s3 =	simm.s32 $0x108;
	s8 =	sld [smem:$0x3FB5]  }
0x2e: {  	s3 =	simm.s32 @!p0 $0x1082;
	s9 =	sld [smem:$0x3FB6]  }
0x2f: {  	lr =	sadd.s32 s0, s3;
	s0 =	sld [smem:$0x3FAD]  }
0x30: {  	s3 =	sld [smem:$0x3FB0]  }
0x31: {  	[smem:$0x3FB9] =	sst s10  }
0x32: {  	s10 =	sld [smem:$0x3FB7];
	_ =	sdelay $0x3  }
0x33: {  	p0 =	seq.s32 s10, $0x1;
	s10 =	sld [smem:$0x3FB9];
	_ =	sdelay $0x3  }
0x34: {  	[smem:$0x3FB9] =	sst s10  }
0x35: {  	s10 =	sld [smem:$0x3FB8];
	_ =	sdelay $0x3  }
0x36: {  	p1 =	seq.s32 s10, $0x1;
	s10 =	sld [smem:$0x3FB9];
	_ =	sdelay $0x3  }
0x37: {  	[smem:$0x3FB9] =	sst s10  }
0x38: {  	s10 =	sld [smem:$0x3FBA]  }
0x39: {  	_ = 	snop;
	(pc) =	sbr.ind lr, $3  }
0x3a: {  	_ = 	snop  }
0x3b: {  	_ = 	snop  }
0x3c: {  	p2 =	seq.s32 s10, $0x1;
	s10 =	sld [smem:$0x3FB9]  }
0x3d: {  	_ =	shalt  }
0x3e: {  	_ =	shalt  }
0x3f: {  	_ =	shalt  }
0x40: {  	_ =	shalt  }
0x41: {  	_ =	shalt  }
0x42: {  	_ =	shalt  }
0x43: {  	_ =	shalt  }
0x44: {  	_ =	shalt  }
0x45: {  	_ =	shalt  }
0x46: {  	_ =	shalt  }
0x47: {  	_ =	shalt  }
0x48: {  	_ =	shalt  }
0x49: {  	_ =	shalt  }
0x4a: {  	_ =	shalt  }
0x4b: {  	_ =	shalt  }
0x4c: {  	_ =	shalt  }
0x4d: {  	_ =	shalt  }
0x4e: {  	_ =	shalt  }
0x4f: {  	_ =	shalt  }
0x50: {  	_ =	shalt  }
0x51: {  	_ =	shalt  }
0x52: {  	_ =	shalt  }
0x53: {  	_ =	shalt  }
0x54: {  	_ =	shalt  }
0x55: {  	_ =	shalt  }
0x56: {  	_ =	shalt  }
0x57: {  	_ =	shalt  }
0x58: {  	_ =	shalt  }
0x59: {  	_ =	shalt  }
0x5a: {  	_ =	shalt  }
0x5b: {  	_ =	shalt  }
0x5c: {  	_ =	shalt  }
0x5d: {  	_ =	shalt  }
0x5e: {  	_ =	shalt  }
0x5f: {  	_ =	shalt  }
0x60: {  	_ =	shalt  }
0x61: {  	_ =	shalt  }
0x62: {  	_ =	shalt  }
0x63: {  	_ =	shalt  }
0x64: {  	_ =	shalt  }
0x65: {  	_ =	shalt  }
0x66: {  	_ =	shalt  }
0x67: {  	_ =	shalt  }
0x68: {  	_ =	shalt  }
0x69: {  	_ =	shalt  }
0x6a: {  	_ =	shalt  }
0x6b: {  	_ =	shalt  }
0x6c: {  	_ =	shalt  }
0x6d: {  	_ =	shalt  }
0x6e: {  	_ =	shalt  }
0x6f: {  	_ =	shalt  }
0x70: {  	_ =	shalt  }
0x71: {  	_ =	shalt  }
0x72: {  	_ =	shalt  }
0x73: {  	_ =	shalt  }
0x74: {  	_ =	shalt  }
0x75: {  	_ =	shalt  }
0x76: {  	_ =	shalt  }
0x77: {  	_ =	shalt  }
0x78: {  	_ =	shalt  }
0x79: {  	_ =	shalt  }
0x7a: {  	_ =	shalt  }
0x7b: {  	_ =	shalt  }
0x7c: {  	_ =	shalt  }
0x7d: {  	_ =	shalt  }
0x7e: {  	_ =	shalt  }
0x7f: {  	_ =	shalt  }
0x80: {  	_ =	shalt  }
0x81: {  	_ =	shalt  }
0x82: {  	_ =	shalt  }
0x83: {  	_ =	shalt  }
0x84: {  	_ =	shalt  }
0x85: {  	_ =	shalt  }
0x86: {  	_ =	shalt  }
0x87: {  	_ =	shalt  }
.Lfunc_end0:
.L_simem_size_0:
called_computation_lowered:
.L_overlay_start_0:
0x88: {  	s2 =	sld [smem:$0x3FD9]  }
0x89: {  	s3 =	sld [smem:$0x3FFE];
	_ =	sdelay $0x1  }
0x8a: {  	s1 =	srdreg.scid  }
0x8b: {  	s0 =	sand.u32 $0x1, s1  }
0x8c: {  	s17 =	sshll.u32 s0, $0xA;
	s2 =	sadd.s32 s3, s2  }
0x8d: {  	s2 =	sadd.s32 s2, s17  }
0x8e: {  	[smem:$0x3FC5] =	sst s2  }
0x8f: {  	_ = 	snop  }
0x90: {  	s2 =	sld [smem:$0x3FC8];
	(tm) =	ssettm $0x1  }
0x91: {  	s18 =	sld [smem:$0x3FFB];
	_ =	sdelay $0x3  }
0x92: {  	_ =	strace s18  }
0x93: {  	s3 =	sld [smem:$0x3FFC];
	_ =	sdelay $0x3  }
0x94: {  	_ =	strace s3  }
0x95: {  	s3 =	sld [smem:$0x3FFD];
	_ =	sdelay $0x3  }
0x96: {  	_ =	strace s3  }
0x97: {  	_ =	strace $0x8FFFFFFF  }
0x98: {  	s19 =	sld [smem:$0x3FDB];
	_ =	sdelay $0x1  }
0x99: {  	s4 =	simm.s32 $_scs_section_size  }
0x9a: {  	s5 =	simm.s32 $_size__tile_overlayer_lowered;
	s6 =	simm.s32 $_tile_overlayer_lowered  }
0x9b: {  	s22 =	simm.s32 $0x1BFF;
	s21 =	sshll.u32 s6, $0x1;
	s3 =	sadd.s32 s4, s19  }
0x9c: {  	s7 =	simm.s32 $0x0;
	s20 =	sshll.u32 s5, $0x1;
	s5 =	sadd.s32 s21, s3  }
0x9d: {  	[timem:s7], [sflag:s22] =	dma.local [hbm:s5], s20  }
0x9e: {  	_ =	swait.ge [sflag:s22], s20  }
0x9f: {  	s4 =	ssub.s32 $0x0, s20;
	[sflag:s22] =	ssyncset.done $0x0  }
0xa0: {  	[sflag:s22] =	ssyncadd.s32 s4;
	_ =	sdelay $0x1  }
0xa1: {  	s23 =	simm.s32 $0x1B8B  }
0xa2: {  	_ =	swait.ge [sflag:s23], $0x1  }
0xa3: {  	[sflag:s23] =	ssyncset.done $0x0  }
0xa4: {  	s25 =	simm.s32 $0x1B8E;
	s24 =	sld [smem:$0x3FFE];
	[sflag:s23] =	ssyncadd.s32 $0xFFFFFFFF  }
0xa5: {  	s26 =	simm.s32 $execute0_lowered;
	[smem:$0x3FD2] =	sst s25  }
0xa6: {  	s5 =	sshll.u32 s26, $0x1;
	_ =	strace $0x80000046;
	[dreg:$0x1] =	wrdreg $0xFFFFFFFF  }
0xa7: {  	s28 =	simm.s32 $_size_execute0_lowered;
	s3 =	sadd.s32 s3, s5;
	[dreg:$0x0] =	wrdreg $0x0  }
0xa8: {  	s5 =	sshll.u32 s28, $0x1;
	[dreg:$0x2] =	wrdreg s3  }
0xa9: {  	[dreg:$0x3] =	wrdreg s5  }
0xaa: {  	[dreg:$0x4] =	wrdreg $0xC0  }
0xab: {  	_ =	task [dreg:s7], $0x5FFFF  }
0xac: {  	[dreg:$0x1] =	wrdreg $0xFFFFFFFF  }
0xad: {  	[dreg:$0x0] =	wrdreg $0x60  }
0xae: {  	[dreg:$0x2] =	wrdreg s2  }
0xaf: {  	[dreg:$0x3] =	wrdreg s24  }
0xb0: {  	[dreg:$0x4] =	wrdreg $0x82000  }
0xb1: {  	[dreg:$0x5] =	wrdreg $0x9  }
0xb2: {  	_ =	task.clear_ibuf [dreg:s7], $0x6FFFF;
	_ =	strace $0x90000046  }
0xb3: {  	s29 =	simm.s32 $0x9;
	_ =	strace $0x80000048  }
0xb4: {  	_ =	swait.ge [sflag:s29], $0x1  }
0xb5: {  	[sflag:s29] =	ssyncadd.s32 $0xFFFFFFFF  }
0xb6: {  	_ =	strace $0x90000048  }
0xb7: {  	_ =	sfence  }
0xb8: {  	s30 =	sld [smem:$0x0];
	_ =	sdelay $0x2  }
0xb9: {  	s31 =	sshll.u32 s1, $0xD;
	s1 =	sshrl.u32 s1, $0x2  }
0xba: {  	s3 =	sand.u32 $0x4000, s31;
	s1 =	sadd.s32 s1, s30  }
0xbb: {  	s0 =	sor.u32 s3, s0;
	s1 =	sshll.u32 s1, $0x11  }
0xbc: {  	s0 =	sor.u32 s1, s0  }
0xbd: {  	s0 =	sadd.s32 $0x8F2B, s0  }
0xbe: {  	[sflag:s0] =	ssyncadd.remote.s32 $0x1  }
0xbf: {  	_ =	sfence.sel $0xFFFF  }
0xc0: {  	[dreg:$0x0] =	wrdreg $0xFFFFFFFF;
	(pc) =	sbr.abs _section_cstart, $3  }
0xc1: {  	[dreg:$0x1] =	wrdreg $0xFFFFFFFF  }
0xc2: {  	_ =	task.clear_ibuf [dreg:s7], $0x2FFFF;
	_ =	strace $0x9FFFFFFF  }
0xc3: {  	(tm) =	ssettm $0x7FFFFFFF  }
tec
execute0_lowered:
.L_overlay_start_1:
0x0: {  	(tag) =	ssettag $0x1  }
0x1: {  	s3 =	rddreg [dreg:$0x0];
	s1 =	srdreg.scid  }
0x2: {  	s2 =	rddreg [dreg:$0x1];
	s5 =	sand.u32 $0x1, s1  }
0x3: {  	s4 =	rddreg [dreg:$0x2];
	s1 =	stileid.u32;
	p0 =	seq.s32 s5, $0x1  }
0x4: {  	s0 =	rddreg [dreg:$0x3];
	s6 =	simm.s32 $0x0;
	s5 =	smul.u32 @!p0 $0x50000, s1  }
0x5: {  	[smem:$0x7FF] =	sst s6;
	s6 =	sadd.s32 $0x10C00, s2  }
0x6: {  	s8 =	sadd.s32 $0x10E00, s2;
	s7 =	smul.u32 @!p0 $0x2800, s1;
	s5 =	sshrl.u32 @!p0 s5, $0x2  }
0x7: {  	_ =	strace $0x80000047;
	s9 =	sshll.u32 @!p0 s1, $0x6;
	s5 =	sadd.s32 @!p0 s5, s4  }
0x8: {  	s10 =	sor.u32 @!p0 $0x1C02, s9;
	s8 =	sadd.s32 @!p0 s8, s7;
	s5 =	sshrl.u32 @!p0 s5, $0x3  }
0x9: {  	[spmem:s5], [sflag:s10] =	dma.local @!p0 [hbm:s8], $0x2800  }
0xa: {  	s11 =	sshll.u32 @!p0 s1, $0xC;
	s12 =	simm.s32 @!p0 $0x200;
	s8 =	sadd.s32 $0xC00, s2  }
0xb: {  	s10 =	sshll.u32 @!p0 s1, $0x5;
	s8 =	sadd.s32 @!p0 s8, s11;
	s11 =	simm.s32 @!p0 $0x0  }
0xc: {  	[tilespmem:s12], [sflag:$0x3] =	stream.linear.gather @!p0 [hbm4b:s8+s11], $0x8000, $0x38;
	[tilespmem:$0x12200] =	vst v63  }
0xd: {  	s6 =	sadd.s32 @!p0 s6, s10  }
0xe: {  	[tilespmem:s11], [sflag:$0x4] =	stream.linear.gather @!p0 [hbm4b:s6+s11], $0x100, $0x38;
	[tilespmem:$0x12200] =	vst v63  }
0xf: {  	s6 =	simm.s32 @!p0 $0x4  }
0x10: {  	_ =	swait.ge @!p0 [sflag:s6], $0x100  }
0x11: {  	[sflag:s6] =	ssyncset.done @!p0 $0x0  }
0x12: {  	s10 =	simm.s32 @!p0 $0x100;
	s8 =	simm.s32 @!p0 $0x80;
	[sflag:s6] =	ssyncadd.s32 @!p0 $0xFFFFFF00  }
0x13: {  	[tilespmem:s10], [sflag:$0x1] =	stream.indirect.gather @!p0 [hbm4b:s3+s8], $0x1, s11, s8, $0xb8;
	[tilespmem:$0x12200] =	vst v63  }
0x14: {  	s11 =	simm.s32 @!p0 $0x180  }
0x15: {  	[tilespmem:s11], [sflag:$0x1] =	stream.indirect.gather @!p0 [hbm4b:s3+s8], $0x1, s8, s8, $0xb8;
	[tilespmem:$0x12200] =	vst v63  }
0x16: {  	s3 =	simm.s32 @!p0 $0x1  }
0x17: {  	_ =	swait.ge @!p0 [sflag:s3], $0x80  }
0x18: {  	[sflag:s3] =	ssyncset.done @!p0 $0x0  }
0x19: {  	[sflag:s3] =	ssyncadd.s32 @!p0 $0xFFFFFF80  }
0x1a: {  	_ =	swait.ge @!p0 [sflag:s3], $0x80  }
0x1b: {  	[sflag:s3] =	ssyncset.done @!p0 $0x0  }
0x1c: {  	[sflag:s3] =	ssyncadd.s32 @!p0 $0xFFFFFF80;
	s3 =	simm.s32 @!p0 $0x2  }
0x1d: {  	_ =	swait.ge @!p0 [sflag:s3], $0x2800  }
0x1e: {  	[sflag:s3] =	ssyncset.done @!p0 $0x0  }
0x1f: {  	[sflag:s3] =	ssyncadd.s32 @!p0 $0xFFFFD800;
	s3 =	simm.s32 @!p0 $0x3  }
0x20: {  	_ =	swait.ge @!p0 [sflag:s3], $0x8000  }
0x21: {  	[sflag:s3] =	ssyncset.done @!p0 $0x0  }
0x22: {  	[sflag:s3] =	ssyncadd.s32 @!p0 $0xFFFF8000  }
0x23: {  	[bflag:$0x0] =	sbarrier.arrive @!p0 $0xFFFF  }
0x24: {  	[spmem:s4] =	stream.indirect.scatter.add.f32 @!p0 [tilespmem:s12], [sflag:$0x4], $0x40, s10, s8, $0xb8;
	[tilespmem:$0x12200] =	vst v63  }
0x25: {  	_ =	swait.ge @!p0 [sflag:s6], $0x2000  }
0x26: {  	[sflag:s6] =	ssyncset.done @!p0 $0x0  }
0x27: {  	s3 =	simm.s32 @!p0 $0x4200;
	[sflag:s6] =	ssyncadd.s32 @!p0 $0xFFFFE000  }
0x28: {  	[spmem:s4] =	stream.indirect.scatter.add.f32 @!p0 [tilespmem:s3], [sflag:$0x4], $0x40, s11, s8, $0xb8;
	[tilespmem:$0x12200] =	vst v63  }
0x29: {  	_ =	swait.ge @!p0 [sflag:s6], $0x2000  }
0x2a: {  	[sflag:s6] =	ssyncset.done @!p0 $0x0  }
0x2b: {  	s2 =	sadd.s32 $0x38E00, s2;
	[sflag:s6] =	ssyncadd.s32 @!p0 $0xFFFFE000  }
0x2c: {  	s2 =	sadd.s32 @!p0 s2, s7;
	s3 =	sor.u32 @!p0 $0x1C04, s9;
	[bflag:$0x0] =	sbarrier.arrive @!p0 $0xFFFF  }
0x2d: {  	[hbm:s2], [sflag:s3] =	dma.local @!p0 [spmem:s5], $0x2800  }
0x2e: {  	_ =	swait.ge @!p0 [sflag:s6], $0x2800  }
0x2f: {  	[sflag:s6] =	ssyncset.done @!p0 $0x0  }
0x30: {  	[sflag:s6] =	ssyncadd.s32 @!p0 $0xFFFFD800  }
0x31: {  	_ =	sfence.sel $0x180000  }
0x32: {  	[bflag:$0x0] =	sbarrier.arrive $0xFFFF  }
0x33: {  	p0 =	sne.s32 s1, $0x0;
	_ =	strace $0x90000047  }
0x34: {  	s0 =	sadd.s32 @!p0 $0x100000, s0;
	[bflag:$0x2] =	sbarrier.arrive $0xFFFF  }
0x35: {  	[sflag:s0] =	ssyncadd.tile.s32 @!p0 $0x1;
	_ =	shalt  }
.Lfunc_end2:
_tile_overlayer_lowered:
.L_overlay_start_2:
0x36: {  	(tag) =	ssettag $0x2  }
0x37: {  	s0 =	rddreg [dreg:$0x0];
	s2 =	stileid.u32  }
0x38: {  	s1 =	rddreg [dreg:$0x1];
	p0 =	sne.s32 s2, $0x0  }
0x39: {  	s3 =	rddreg [dreg:$0x2];
	[bflag:$0x3] =	sbarrier.arrive $0xFFFF;
	s2 =	simm.s32 @!p0 $0x1C04  }
0x3a: {  	[timem:s3], [sflag:s2] =	dma.local @!p0 [hbm:s0], s1  }
0x3b: {  	s0 =	simm.s32 @!p0 $0x4  }
0x3c: {  	_ =	swait.ge @!p0 [sflag:s0], s1  }
0x3d: {  	s1 =	ssub.s32 @!p0 $0x0, s1;
	[sflag:s0] =	ssyncset.done @!p0 $0x0  }
0x3e: {  	[sflag:s0] =	ssyncadd.s32 @!p0 s1  }
0x3f: {  	[bflag:$0x3] =	sbarrier.arrive $0xFFFF  }
0x40: {  	_ =	shalt  }

</sc_bundles>
